<compile_context>
chip_gen: v7x
topology: tpu7x:2x2x1
jax: 0.10.2.dev20260603
libtpu: 0.0.44.dev20260713+nightly
codegen_flags: <defaults>
</compile_context>

<pallas_src>
import functools

import jax
import jax.numpy as jnp
from jax import lax
from jax.experimental import pallas as pl
from jax.experimental.pallas import tpu as pltpu
from jax.experimental.pallas import tpu_sc as plsc

BATCH = 16384
EMB = 64
PAIR = 2 * EMB
HID = 128
NW = 32
BPW = BATCH // NW
CHUNK = 128
NCHUNK = BPW // CHUNK
NBUF = 2
LBLK = 8192


QL = 4096


def _pack2(a, b):
    au = jax.lax.bitcast_convert_type(a.astype(jnp.bfloat16), jnp.uint16)
    bu = jax.lax.bitcast_convert_type(b.astype(jnp.bfloat16), jnp.uint16)
    packed = au.astype(jnp.uint32) | (bu.astype(jnp.uint32) << 16)
    return jax.lax.bitcast_convert_type(packed, jnp.float32)


def _tp_body(in_ref, o_ref):
    x = in_ref[...]
    a = x[:, 0 * QL:1 * QL].T
    b = x[:, 1 * QL:2 * QL].T
    c = x[:, 2 * QL:3 * QL].T
    d = x[:, 3 * QL:4 * QL].T
    o_ref[...] = jnp.concatenate([_pack2(a, b), _pack2(c, d)], axis=1)


def _tc_transpose_quad(wt):
    v = wt.shape[1]
    grid = (v + 4 * QL - 1) // (4 * QL)
    return pl.pallas_call(
        _tp_body,
        grid=(grid,),
        in_specs=[pl.BlockSpec((EMB, 4 * QL), lambda i: (0, i))],
        out_specs=pl.BlockSpec((QL, PAIR), lambda i: (i, 0)),
        out_shape=jax.ShapeDtypeStruct((grid * QL, PAIR), jnp.float32),
    )(wt)


def _sc_gather(dom2, go2, Wd2, Wg2):
    mesh = plsc.VectorSubcoreMesh(core_axis_name="c", subcore_axis_name="s")

    @functools.partial(
        pl.kernel,
        mesh=mesh,
        out_type=(
            jax.ShapeDtypeStruct((BATCH, PAIR), jnp.float32),
            jax.ShapeDtypeStruct((BATCH, PAIR), jnp.float32),
        ),
        scratch_types=(
            pltpu.VMEM((BPW,), jnp.int32),
            pltpu.VMEM((BPW,), jnp.int32),
            pltpu.VMEM((NBUF, CHUNK, PAIR), jnp.float32),
            pltpu.VMEM((NBUF, CHUNK, PAIR), jnp.float32),
            pltpu.SemaphoreType.DMA,
            pltpu.SemaphoreType.DMA,
            pltpu.SemaphoreType.DMA,
            pltpu.SemaphoreType.DMA,
            pltpu.SemaphoreType.DMA,
            pltpu.SemaphoreType.DMA,
        ),
    )
    def gather_kernel(dom_hbm, go_hbm, wd_hbm, wg_hbm, outd_hbm, outg_hbm,
                      idx_d, idx_g, rows_d, rows_g,
                      gsem_d, gsem_g, wd0, wd1, wg0, wg1):
        wid = lax.axis_index("s") * 2 + lax.axis_index("c")
        base = wid * BPW
        pltpu.sync_copy(dom_hbm.at[pl.ds(base, BPW)], idx_d)
        pltpu.sync_copy(go_hbm.at[pl.ds(base, BPW)], idx_g)
        wsems_d = (wd0, wd1)
        wsems_g = (wg0, wg1)
        pending = [None] * NBUF
        for c in range(NCHUNK):
            b = c % NBUF
            if pending[b] is not None:
                pending[b][0].wait()
                pending[b][1].wait()
            sl = pl.ds(c * CHUNK, CHUNK)
            gd = pltpu.async_copy(wd_hbm.at[idx_d.at[sl]], rows_d.at[b], gsem_d)
            gg = pltpu.async_copy(wg_hbm.at[idx_g.at[sl]], rows_g.at[b], gsem_g)
            gd.wait()
            gg.wait()
            osl = pl.ds(base + c * CHUNK, CHUNK)
            pending[b] = (
                pltpu.async_copy(rows_d.at[b], outd_hbm.at[osl], wsems_d[b]),
                pltpu.async_copy(rows_g.at[b], outg_hbm.at[osl], wsems_g[b]),
            )
        for p in pending:
            if p is not None:
                p[0].wait()
                p[1].wait()

    return gather_kernel(dom2, go2, Wd2, Wg2)


def _unpack_quad(xp, q):
    xw = jax.lax.bitcast_convert_type(
        jnp.where(q >= 2, xp[:, EMB:], xp[:, :EMB]), jnp.uint32)
    half = jnp.where((q & 1) == 1, xw >> 16, xw & jnp.uint32(0xFFFF))
    return jax.lax.bitcast_convert_type(
        half.astype(jnp.uint16), jnp.bfloat16).astype(jnp.float32)


def _head_body(dp_ref, gp_ref, dpar_ref, gpar_ref,
               w1_ref, b1_ref, w2_ref, b2_ref, o_ref):
    dp = dp_ref[...]
    gp = gp_ref[...]
    d = _unpack_quad(dp, dpar_ref[...])
    g = _unpack_quad(gp, gpar_ref[...])
    nd = jnp.sqrt(jnp.sum(d * d, axis=1, keepdims=True))
    ng = jnp.sqrt(jnp.sum(g * g, axis=1, keepdims=True))
    sd = jnp.where(nd > 1.0, 1.0 / (nd + 1e-7), 1.0)
    sg = jnp.where(ng > 1.0, 1.0 / (ng + 1e-7), 1.0)
    feat = (d * sd) * (g * sg)
    h = jnp.maximum(
        jnp.dot(feat, w1_ref[...], preferred_element_type=jnp.float32) + b1_ref[...],
        0.0,
    )
    o = jnp.sum(h * w2_ref[...], axis=1) + b2_ref[0, 0]
    o_ref[...] = jax.nn.sigmoid(o)


def _tc_head(d_pair, g_pair, d_par, g_par, W1, b1, W2, b2, blk=2048):
    nblk = BATCH // blk
    out = pl.pallas_call(
        _head_body,
        grid=(nblk,),
        in_specs=[
            pl.BlockSpec((blk, PAIR), lambda i: (i, 0)),
            pl.BlockSpec((blk, PAIR), lambda i: (i, 0)),
            pl.BlockSpec((blk, 1), lambda i: (i, 0)),
            pl.BlockSpec((blk, 1), lambda i: (i, 0)),
            pl.BlockSpec((EMB, HID), lambda i: (0, 0)),
            pl.BlockSpec((1, HID), lambda i: (0, 0)),
            pl.BlockSpec((1, HID), lambda i: (0, 0)),
            pl.BlockSpec((1, 1), lambda i: (0, 0)),
        ],
        out_specs=pl.BlockSpec((blk,), lambda i: (i,)),
        out_shape=jax.ShapeDtypeStruct((BATCH,), jnp.float32),
    )(d_pair, g_pair, d_par, g_par,
      W1, b1.reshape(1, HID), W2.reshape(1, HID), b2.reshape(1, 1))
    return out


def kernel(domain_id, go_id, W_domain, W_go, W1, b1, W2, b2):
    Wd2 = _tc_transpose_quad(W_domain.T)
    Wg2 = _tc_transpose_quad(W_go.T)

    def qmap(i):
        return (jax.lax.shift_right_logical(i, 14) * QL
                + jax.lax.bitwise_and(i, QL - 1))

    def qpar(i):
        return jax.lax.bitwise_and(
            jax.lax.shift_right_logical(i, 12), 3).reshape(BATCH, 1)

    dom2 = qmap(domain_id)
    go2 = qmap(go_id)
    d_par = qpar(domain_id)
    g_par = qpar(go_id)
    d_pair, g_pair = _sc_gather(dom2, go2, Wd2, Wg2)
    return _tc_head(d_pair, g_pair, d_par, g_par, W1, b1, W2, b2)

# --- scband reference (transcript-rebuilt; emitter-appended) ---
"""Pipeline reference for scband-domain-embedding-model-46823733461237 (READ-ONLY COPY).

The authoritative reference and input builder live on the scoring server;
editing this copy changes nothing except your own understanding.
"""

import jax, jax.numpy as jnp
import numpy as np

NUM_DOMAINS = 1000000
NUM_GOTERMS = 100000
EMB_DIM = 64
LATENT_DIM = 128
BATCH = 16384


def _renorm(emb, max_norm=1.0):
    # torch nn.Embedding(max_norm=1) renorms looked-up rows whose L2 norm exceeds max_norm.
    norms = jnp.linalg.norm(emb, axis=-1, keepdims=True)
    scale = jnp.where(norms > max_norm, max_norm / (norms + 1e-7), jnp.ones_like(norms))
    # torch performs the renorm in-place under no_grad, so the scale is not differentiated through
    return emb * jax.lax.stop_gradient(scale)


def setup_inputs(seed: int = 0) -> dict:
    key = jax.random.key(seed)
    k0, k1, k2, k3, k4, k5, k6, k7 = jax.random.split(key, 8)
    domain_id = jax.random.randint(k0, (BATCH,), 0, NUM_DOMAINS, dtype=jnp.int32)
    go_id = jax.random.randint(k1, (BATCH,), 0, NUM_GOTERMS, dtype=jnp.int32)
    # nn.Embedding default init: N(0, 1)
    W_domain = jax.random.normal(k2, (NUM_DOMAINS, EMB_DIM), dtype=jnp.float32)
    W_go = jax.random.normal(k3, (NUM_GOTERMS, EMB_DIM), dtype=jnp.float32)
    # predict head: Linear(emb_dim, latent_dim) -> ReLU -> Dropout(eval) -> Linear(latent_dim, 1) -> Sigmoid
    lim1 = 1.0 / np.sqrt(EMB_DIM)
    lim2 = 1.0 / np.sqrt(LATENT_DIM)
    W1 = jax.random.uniform(k4, (EMB_DIM, LATENT_DIM), minval=-lim1, maxval=lim1, dtype=jnp.float32)
    b1 = jax.random.uniform(k5, (LATENT_DIM,), minval=-lim1, maxval=lim1, dtype=jnp.float32)
    W2 = jax.random.uniform(k6, (LATENT_DIM, 1), minval=-lim2, maxval=lim2, dtype=jnp.float32)
    b2 = jax.random.uniform(k7, (1,), minval=-lim2, maxval=lim2, dtype=jnp.float32)
    return {
        'domain_id': domain_id,
        'go_id': go_id,
        'W_domain': W_domain,
        'W_go': W_go,
        'W1': W1,
        'b1': b1,
        'W2': W2,
        'b2': b2,
    }


def reference(domain_id, go_id, W_domain, W_go, W1, b1, W2, b2):
    # embedding lookups with max_norm=1 renorm
    domain_embedding = _renorm(jnp.take(W_domain, domain_id, axis=0))
    go_embedding = _renorm(jnp.take(W_go, go_id, axis=0))
    # all_loss is None -> contrastive branch skipped
    feat = domain_embedding * go_embedding
    h = jax.nn.relu(feat @ W1 + b1)
    # dropout is identity in eval mode
    out = jax.nn.sigmoid(h @ W2 + b2)
    return out.squeeze(1)


if False:  # reference __main__ guard neutralized (emitter)
    inp = setup_inputs()
    o = reference(**inp)
    print(o.shape, o.dtype)

if __name__ == "__main__":
    import jax
    _d = setup_inputs()
    print(jax.jit(kernel)(*tuple(_d.values())))

</pallas_src>

<mosaic_0001>
#map = affine_map<(d0, d1) -> (0)>
#map1 = affine_map<(d0, d1) -> (0, 0)>
module attributes {stable_mosaic.version = 14 : i64} {
  func.func @gather_kernel(%arg0: i32, %arg1: i32, %arg2: memref<16384xi32, #tpu.memory_space<hbm>>, %arg3: memref<16384xi32, #tpu.memory_space<hbm>>, %arg4: memref<253952x128xf32, #tpu.memory_space<hbm>>, %arg5: memref<28672x128xf32, #tpu.memory_space<hbm>>, %arg6: memref<16384x128xf32, #tpu.memory_space<hbm>>, %arg7: memref<16384x128xf32, #tpu.memory_space<hbm>>, %arg8: memref<512xi32, #tpu.memory_space<vmem>>, %arg9: memref<512xi32, #tpu.memory_space<vmem>>, %arg10: memref<2x128x128xf32, #tpu.memory_space<vmem>>, %arg11: memref<2x128x128xf32, #tpu.memory_space<vmem>>, %arg12: memref<!tpu.dma_semaphore, #tpu.memory_space<semaphore_mem>>, %arg13: memref<!tpu.dma_semaphore, #tpu.memory_space<semaphore_mem>>, %arg14: memref<!tpu.dma_semaphore, #tpu.memory_space<semaphore_mem>>, %arg15: memref<!tpu.dma_semaphore, #tpu.memory_space<semaphore_mem>>, %arg16: memref<!tpu.dma_semaphore, #tpu.memory_space<semaphore_mem>>, %arg17: memref<!tpu.dma_semaphore, #tpu.memory_space<semaphore_mem>>) attributes {dimension_semantics = [#tpu.dimension_semantics<core_parallel>, #tpu.dimension_semantics<subcore_parallel>], iteration_bounds = array<i64: 2, 16>, scalar_prefetch = 0 : i64, scratch_operands = 10 : i64, tpu.core_type = #tpu.core_type<sc_vector_subcore>, window_params = [{transform_indices = #map}, {transform_indices = #map}, {transform_indices = #map1}, {transform_indices = #map1}, {transform_indices = #map1}, {transform_indices = #map1}]} {
    %mul3A = arith.constant 2 : i32
    %mul3A_0 = arith.muli %arg1, %mul3A : i32
    %add3A = arith.addi %mul3A_0, %arg0 : i32
    %mul3A_1 = arith.constant 512 : i32
    %mul3A_2 = arith.muli %add3A, %mul3A_1 : i32
    "tpu.region"() ({
      %run_scoped3A = tpu.sem_alloc : memref<!tpu.dma_semaphore, #tpu.memory_space<semaphore_mem>>
      %dma_start3A_377 = tpu.memref_slice %arg2[%mul3A_2] : memref<16384xi32, #tpu.memory_space<hbm>> -> memref<512xi32, #tpu.memory_space<hbm>>
      %dma_start3A_378 = tpu.memref_slice %arg2[%mul3A_2] : memref<16384xi32, #tpu.memory_space<hbm>> -> memref<512xi32, #tpu.memory_space<hbm>>
      tpu.enqueue_dma source(%dma_start3A_378 : memref<512xi32, #tpu.memory_space<hbm>>) target(%arg8 : memref<512xi32, #tpu.memory_space<vmem>>) target_semaphore(%run_scoped3A : memref<!tpu.dma_semaphore, #tpu.memory_space<semaphore_mem>>)
      %dma_wait3A_379 = tpu.memref_slice %arg2[%mul3A_2] : memref<16384xi32, #tpu.memory_space<hbm>> -> memref<512xi32, #tpu.memory_space<hbm>>
      %dma_wait3A_380 = tpu.memref_slice %arg2[%mul3A_2] : memref<16384xi32, #tpu.memory_space<hbm>> -> memref<512xi32, #tpu.memory_space<hbm>>
      tpu.wait_dma2 semaphore(%run_scoped3A : memref<!tpu.dma_semaphore, #tpu.memory_space<semaphore_mem>>) src(%dma_wait3A_380 : memref<512xi32, #tpu.memory_space<hbm>>) dst(%arg8 : memref<512xi32, #tpu.memory_space<vmem>>)
      tpu.yield
    }) : () -> ()
    "tpu.region"() ({
      %run_scoped3A = tpu.sem_alloc : memref<!tpu.dma_semaphore, #tpu.memory_space<semaphore_mem>>
      %dma_start3A_377 = tpu.memref_slice %arg3[%mul3A_2] : memref<16384xi32, #tpu.memory_space<hbm>> -> memref<512xi32, #tpu.memory_space<hbm>>
      %dma_start3A_378 = tpu.memref_slice %arg3[%mul3A_2] : memref<16384xi32, #tpu.memory_space<hbm>> -> memref<512xi32, #tpu.memory_space<hbm>>
      tpu.enqueue_dma source(%dma_start3A_378 : memref<512xi32, #tpu.memory_space<hbm>>) target(%arg9 : memref<512xi32, #tpu.memory_space<vmem>>) target_semaphore(%run_scoped3A : memref<!tpu.dma_semaphore, #tpu.memory_space<semaphore_mem>>)
      %dma_wait3A_379 = tpu.memref_slice %arg3[%mul3A_2] : memref<16384xi32, #tpu.memory_space<hbm>> -> memref<512xi32, #tpu.memory_space<hbm>>
      %dma_wait3A_380 = tpu.memref_slice %arg3[%mul3A_2] : memref<16384xi32, #tpu.memory_space<hbm>> -> memref<512xi32, #tpu.memory_space<hbm>>
      tpu.wait_dma2 semaphore(%run_scoped3A : memref<!tpu.dma_semaphore, #tpu.memory_space<semaphore_mem>>) src(%dma_wait3A_380 : memref<512xi32, #tpu.memory_space<hbm>>) dst(%arg9 : memref<512xi32, #tpu.memory_space<vmem>>)
      tpu.yield
    }) : () -> ()
    %dma_start3A = arith.constant 0 : i32
    %dma_start3A_3 = arith.constant 0 : i32
    %dma_start3A_4 = arith.constant 0 : i32
    %dma_start3A_5 = tpu.memref_slice %arg10[%dma_start3A, %dma_start3A_3, %dma_start3A_4] : memref<2x128x128xf32, #tpu.memory_space<vmem>> -> memref<1x128x128xf32, #tpu.memory_space<vmem>>
    %dma_start3A_6 = tpu.memref_squeeze %dma_start3A_5 : memref<1x128x128xf32, #tpu.memory_space<vmem>> -> memref<128x128xf32, #tpu.memory_space<vmem>>
    %dma_start3A_7 = arith.constant 0 : i32
    %dma_start3A_8 = tpu.memref_slice %arg8[%dma_start3A_7] : memref<512xi32, #tpu.memory_space<vmem>> -> memref<128xi32, #tpu.memory_space<vmem>>
    %dma_start3A_9 = arith.constant 0 : i32
    %dma_start3A_10 = arith.constant 0 : i32
    %dma_start3A_11 = tpu.memref_slice %arg4[%dma_start3A_9, %dma_start3A_10] : memref<253952x128xf32, #tpu.memory_space<hbm>> -> memref<253952x128xf32, #tpu.memory_space<hbm>>
    tpu.enqueue_indirect_dma source(%dma_start3A_11 : memref<253952x128xf32, #tpu.memory_space<hbm>>) target(%dma_start3A_6 : memref<128x128xf32, #tpu.memory_space<vmem>>) offsets(%dma_start3A_8 : memref<128xi32, #tpu.memory_space<vmem>>) semaphore(%arg12 : memref<!tpu.dma_semaphore, #tpu.memory_space<semaphore_mem>>)
    %dma_start3A_12 = arith.constant 0 : i32
    %dma_start3A_13 = arith.constant 0 : i32
    %dma_start3A_14 = arith.constant 0 : i32
    %dma_start3A_15 = tpu.memref_slice %arg11[%dma_start3A_12, %dma_start3A_13, %dma_start3A_14] : memref<2x128x128xf32, #tpu.memory_space<vmem>> -> memref<1x128x128xf32, #tpu.memory_space<vmem>>
    %dma_start3A_16 = tpu.memref_squeeze %dma_start3A_15 : memref<1x128x128xf32, #tpu.memory_space<vmem>> -> memref<128x128xf32, #tpu.memory_space<vmem>>
    %dma_start3A_17 = arith.constant 0 : i32
    %dma_start3A_18 = tpu.memref_slice %arg9[%dma_start3A_17] : memref<512xi32, #tpu.memory_space<vmem>> -> memref<128xi32, #tpu.memory_space<vmem>>
    %dma_start3A_19 = arith.constant 0 : i32
    %dma_start3A_20 = arith.constant 0 : i32
    %dma_start3A_21 = tpu.memref_slice %arg5[%dma_start3A_19, %dma_start3A_20] : memref<28672x128xf32, #tpu.memory_space<hbm>> -> memref<28672x128xf32, #tpu.memory_space<hbm>>
    tpu.enqueue_indirect_dma source(%dma_start3A_21 : memref<28672x128xf32, #tpu.memory_space<hbm>>) target(%dma_start3A_16 : memref<128x128xf32, #tpu.memory_space<vmem>>) offsets(%dma_start3A_18 : memref<128xi32, #tpu.memory_space<vmem>>) semaphore(%arg13 : memref<!tpu.dma_semaphore, #tpu.memory_space<semaphore_mem>>)
    %dma_wait3A = arith.constant 0 : i32
    %dma_wait3A_22 = arith.constant 0 : i32
    %dma_wait3A_23 = arith.constant 0 : i32
    %dma_wait3A_24 = tpu.memref_slice %arg10[%dma_wait3A, %dma_wait3A_22, %dma_wait3A_23] : memref<2x128x128xf32, #tpu.memory_space<vmem>> -> memref<1x128x128xf32, #tpu.memory_space<vmem>>
    %dma_wait3A_25 = tpu.memref_squeeze %dma_wait3A_24 : memref<1x128x128xf32, #tpu.memory_space<vmem>> -> memref<128x128xf32, #tpu.memory_space<vmem>>
    %dma_wait3A_26 = arith.constant 0 : i32
    %dma_wait3A_27 = tpu.memref_slice %arg8[%dma_wait3A_26] : memref<512xi32, #tpu.memory_space<vmem>> -> memref<128xi32, #tpu.memory_space<vmem>>
    %dma_wait3A_28 = arith.constant 0 : i32
    %dma_wait3A_29 = arith.constant 0 : i32
    %dma_wait3A_30 = tpu.memref_slice %arg4[%dma_wait3A_28, %dma_wait3A_29] : memref<253952x128xf32, #tpu.memory_space<hbm>> -> memref<253952x128xf32, #tpu.memory_space<hbm>>
    tpu.wait_indirect_dma semaphore(%arg12 : memref<!tpu.dma_semaphore, #tpu.memory_space<semaphore_mem>>) src(%dma_wait3A_30 : memref<253952x128xf32, #tpu.memory_space<hbm>>) dst(%dma_wait3A_25 : memref<128x128xf32, #tpu.memory_space<vmem>>)
    %dma_wait3A_31 = arith.constant 0 : i32
    %dma_wait3A_32 = arith.constant 0 : i32
    %dma_wait3A_33 = arith.constant 0 : i32
    %dma_wait3A_34 = tpu.memref_slice %arg11[%dma_wait3A_31, %dma_wait3A_32, %dma_wait3A_33] : memref<2x128x128xf32, #tpu.memory_space<vmem>> -> memref<1x128x128xf32, #tpu.memory_space<vmem>>
    %dma_wait3A_35 = tpu.memref_squeeze %dma_wait3A_34 : memref<1x128x128xf32, #tpu.memory_space<vmem>> -> memref<128x128xf32, #tpu.memory_space<vmem>>
    %dma_wait3A_36 = arith.constant 0 : i32
    %dma_wait3A_37 = tpu.memref_slice %arg9[%dma_wait3A_36] : memref<512xi32, #tpu.memory_space<vmem>> -> memref<128xi32, #tpu.memory_space<vmem>>
    %dma_wait3A_38 = arith.constant 0 : i32
    %dma_wait3A_39 = arith.constant 0 : i32
    %dma_wait3A_40 = tpu.memref_slice %arg5[%dma_wait3A_38, %dma_wait3A_39] : memref<28672x128xf32, #tpu.memory_space<hbm>> -> memref<28672x128xf32, #tpu.memory_space<hbm>>
    tpu.wait_indirect_dma semaphore(%arg13 : memref<!tpu.dma_semaphore, #tpu.memory_space<semaphore_mem>>) src(%dma_wait3A_40 : memref<28672x128xf32, #tpu.memory_space<hbm>>) dst(%dma_wait3A_35 : memref<128x128xf32, #tpu.memory_space<vmem>>)
    %add3A_41 = arith.constant 0 : i32
    %add3A_42 = arith.addi %mul3A_2, %add3A_41 : i32
    %dma_start3A_43 = arith.constant 0 : i32
    %dma_start3A_44 = arith.constant 0 : i32
    %dma_start3A_45 = arith.constant 0 : i32
    %dma_start3A_46 = tpu.memref_slice %arg10[%dma_start3A_43, %dma_start3A_44, %dma_start3A_45] : memref<2x128x128xf32, #tpu.memory_space<vmem>> -> memref<1x128x128xf32, #tpu.memory_space<vmem>>
    %dma_start3A_47 = tpu.memref_squeeze %dma_start3A_46 : memref<1x128x128xf32, #tpu.memory_space<vmem>> -> memref<128x128xf32, #tpu.memory_space<vmem>>
    %dma_start3A_48 = arith.constant 0 : i32
    %dma_start3A_49 = tpu.memref_slice %arg6[%add3A_42, %dma_start3A_48] : memref<16384x128xf32, #tpu.memory_space<hbm>> -> memref<128x128xf32, #tpu.memory_space<hbm>>
    %dma_start3A_50 = arith.constant 0 : i32
    %dma_start3A_51 = tpu.memref_slice %arg6[%add3A_42, %dma_start3A_50] : memref<16384x128xf32, #tpu.memory_space<hbm>> -> memref<128x128xf32, #tpu.memory_space<hbm>>
    %dma_start3A_52 = arith.constant 0 : i32
    %dma_start3A_53 = arith.constant 0 : i32
    %dma_start3A_54 = tpu.memref_slice %arg10[%dma_start3A_43, %dma_start3A_52, %dma_start3A_53] : memref<2x128x128xf32, #tpu.memory_space<vmem>> -> memref<1x128x128xf32, #tpu.memory_space<vmem>>
    %dma_start3A_55 = tpu.memref_squeeze %dma_start3A_54 : memref<1x128x128xf32, #tpu.memory_space<vmem>> -> memref<128x128xf32, #tpu.memory_space<vmem>>
    tpu.enqueue_dma source(%dma_start3A_55 : memref<128x128xf32, #tpu.memory_space<vmem>>) target(%dma_start3A_51 : memref<128x128xf32, #tpu.memory_space<hbm>>) target_semaphore(%arg14 : memref<!tpu.dma_semaphore, #tpu.memory_space<semaphore_mem>>)
    %dma_start3A_56 = arith.constant 0 : i32
    %dma_start3A_57 = arith.constant 0 : i32
    %dma_start3A_58 = arith.constant 0 : i32
    %dma_start3A_59 = tpu.memref_slice %arg11[%dma_start3A_56, %dma_start3A_57, %dma_start3A_58] : memref<2x128x128xf32, #tpu.memory_space<vmem>> -> memref<1x128x128xf32, #tpu.memory_space<vmem>>
    %dma_start3A_60 = tpu.memref_squeeze %dma_start3A_59 : memref<1x128x128xf32, #tpu.memory_space<vmem>> -> memref<128x128xf32, #tpu.memory_space<vmem>>
    %dma_start3A_61 = arith.constant 0 : i32
    %dma_start3A_62 = tpu.memref_slice %arg7[%add3A_42, %dma_start3A_61] : memref<16384x128xf32, #tpu.memory_space<hbm>> -> memref<128x128xf32, #tpu.memory_space<hbm>>
    %dma_start3A_63 = arith.constant 0 : i32
    %dma_start3A_64 = tpu.memref_slice %arg7[%add3A_42, %dma_start3A_63] : memref<16384x128xf32, #tpu.memory_space<hbm>> -> memref<128x128xf32, #tpu.memory_space<hbm>>
    %dma_start3A_65 = arith.constant 0 : i32
    %dma_start3A_66 = arith.constant 0 : i32
    %dma_start3A_67 = tpu.memref_slice %arg11[%dma_start3A_56, %dma_start3A_65, %dma_start3A_66] : memref<2x128x128xf32, #tpu.memory_space<vmem>> -> memref<1x128x128xf32, #tpu.memory_space<vmem>>
    %dma_start3A_68 = tpu.memref_squeeze %dma_start3A_67 : memref<1x128x128xf32, #tpu.memory_space<vmem>> -> memref<128x128xf32, #tpu.memory_space<vmem>>
    tpu.enqueue_dma source(%dma_start3A_68 : memref<128x128xf32, #tpu.memory_space<vmem>>) target(%dma_start3A_64 : memref<128x128xf32, #tpu.memory_space<hbm>>) target_semaphore(%arg16 : memref<!tpu.dma_semaphore, #tpu.memory_space<semaphore_mem>>)
    %dma_start3A_69 = arith.constant 1 : i32
    %dma_start3A_70 = arith.constant 0 : i32
    %dma_start3A_71 = arith.constant 0 : i32
    %dma_start3A_72 = tpu.memref_slice %arg10[%dma_start3A_69, %dma_start3A_70, %dma_start3A_71] : memref<2x128x128xf32, #tpu.memory_space<vmem>> -> memref<1x128x128xf32, #tpu.memory_space<vmem>>
    %dma_start3A_73 = tpu.memref_squeeze %dma_start3A_72 : memref<1x128x128xf32, #tpu.memory_space<vmem>> -> memref<128x128xf32, #tpu.memory_space<vmem>>
    %dma_start3A_74 = arith.constant 128 : i32
    %dma_start3A_75 = tpu.memref_slice %arg8[%dma_start3A_74] : memref<512xi32, #tpu.memory_space<vmem>> -> memref<128xi32, #tpu.memory_space<vmem>>
    %dma_start3A_76 = arith.constant 0 : i32
    %dma_start3A_77 = arith.constant 0 : i32
    %dma_start3A_78 = tpu.memref_slice %arg4[%dma_start3A_76, %dma_start3A_77] : memref<253952x128xf32, #tpu.memory_space<hbm>> -> memref<253952x128xf32, #tpu.memory_space<hbm>>
    tpu.enqueue_indirect_dma source(%dma_start3A_78 : memref<253952x128xf32, #tpu.memory_space<hbm>>) target(%dma_start3A_73 : memref<128x128xf32, #tpu.memory_space<vmem>>) offsets(%dma_start3A_75 : memref<128xi32, #tpu.memory_space<vmem>>) semaphore(%arg12 : memref<!tpu.dma_semaphore, #tpu.memory_space<semaphore_mem>>)
    %dma_start3A_79 = arith.constant 1 : i32
    %dma_start3A_80 = arith.constant 0 : i32
    %dma_start3A_81 = arith.constant 0 : i32
    %dma_start3A_82 = tpu.memref_slice %arg11[%dma_start3A_79, %dma_start3A_80, %dma_start3A_81] : memref<2x128x128xf32, #tpu.memory_space<vmem>> -> memref<1x128x128xf32, #tpu.memory_space<vmem>>
    %dma_start3A_83 = tpu.memref_squeeze %dma_start3A_82 : memref<1x128x128xf32, #tpu.memory_space<vmem>> -> memref<128x128xf32, #tpu.memory_space<vmem>>
    %dma_start3A_84 = arith.constant 128 : i32
    %dma_start3A_85 = tpu.memref_slice %arg9[%dma_start3A_84] : memref<512xi32, #tpu.memory_space<vmem>> -> memref<128xi32, #tpu.memory_space<vmem>>
    %dma_start3A_86 = arith.constant 0 : i32
    %dma_start3A_87 = arith.constant 0 : i32
    %dma_start3A_88 = tpu.memref_slice %arg5[%dma_start3A_86, %dma_start3A_87] : memref<28672x128xf32, #tpu.memory_space<hbm>> -> memref<28672x128xf32, #tpu.memory_space<hbm>>
    tpu.enqueue_indirect_dma source(%dma_start3A_88 : memref<28672x128xf32, #tpu.memory_space<hbm>>) target(%dma_start3A_83 : memref<128x128xf32, #tpu.memory_space<vmem>>) offsets(%dma_start3A_85 : memref<128xi32, #tpu.memory_space<vmem>>) semaphore(%arg13 : memref<!tpu.dma_semaphore, #tpu.memory_space<semaphore_mem>>)
    %dma_wait3A_89 = arith.constant 1 : i32
    %dma_wait3A_90 = arith.constant 0 : i32
    %dma_wait3A_91 = arith.constant 0 : i32
    %dma_wait3A_92 = tpu.memref_slice %arg10[%dma_wait3A_89, %dma_wait3A_90, %dma_wait3A_91] : memref<2x128x128xf32, #tpu.memory_space<vmem>> -> memref<1x128x128xf32, #tpu.memory_space<vmem>>
    %dma_wait3A_93 = tpu.memref_squeeze %dma_wait3A_92 : memref<1x128x128xf32, #tpu.memory_space<vmem>> -> memref<128x128xf32, #tpu.memory_space<vmem>>
    %dma_wait3A_94 = arith.constant 128 : i32
    %dma_wait3A_95 = tpu.memref_slice %arg8[%dma_wait3A_94] : memref<512xi32, #tpu.memory_space<vmem>> -> memref<128xi32, #tpu.memory_space<vmem>>
    %dma_wait3A_96 = arith.constant 0 : i32
    %dma_wait3A_97 = arith.constant 0 : i32
    %dma_wait3A_98 = tpu.memref_slice %arg4[%dma_wait3A_96, %dma_wait3A_97] : memref<253952x128xf32, #tpu.memory_space<hbm>> -> memref<253952x128xf32, #tpu.memory_space<hbm>>
    tpu.wait_indirect_dma semaphore(%arg12 : memref<!tpu.dma_semaphore, #tpu.memory_space<semaphore_mem>>) src(%dma_wait3A_98 : memref<253952x128xf32, #tpu.memory_space<hbm>>) dst(%dma_wait3A_93 : memref<128x128xf32, #tpu.memory_space<vmem>>)
    %dma_wait3A_99 = arith.constant 1 : i32
    %dma_wait3A_100 = arith.constant 0 : i32
    %dma_wait3A_101 = arith.constant 0 : i32
    %dma_wait3A_102 = tpu.memref_slice %arg11[%dma_wait3A_99, %dma_wait3A_100, %dma_wait3A_101] : memref<2x128x128xf32, #tpu.memory_space<vmem>> -> memref<1x128x128xf32, #tpu.memory_space<vmem>>
    %dma_wait3A_103 = tpu.memref_squeeze %dma_wait3A_102 : memref<1x128x128xf32, #tpu.memory_space<vmem>> -> memref<128x128xf32, #tpu.memory_space<vmem>>
    %dma_wait3A_104 = arith.constant 128 : i32
    %dma_wait3A_105 = tpu.memref_slice %arg9[%dma_wait3A_104] : memref<512xi32, #tpu.memory_space<vmem>> -> memref<128xi32, #tpu.memory_space<vmem>>
    %dma_wait3A_106 = arith.constant 0 : i32
    %dma_wait3A_107 = arith.constant 0 : i32
    %dma_wait3A_108 = tpu.memref_slice %arg5[%dma_wait3A_106, %dma_wait3A_107] : memref<28672x128xf32, #tpu.memory_space<hbm>> -> memref<28672x128xf32, #tpu.memory_space<hbm>>
    tpu.wait_indirect_dma semaphore(%arg13 : memref<!tpu.dma_semaphore, #tpu.memory_space<semaphore_mem>>) src(%dma_wait3A_108 : memref<28672x128xf32, #tpu.memory_space<hbm>>) dst(%dma_wait3A_103 : memref<128x128xf32, #tpu.memory_space<vmem>>)
    %add3A_109 = arith.constant 128 : i32
    %add3A_110 = arith.addi %mul3A_2, %add3A_109 : i32
    %dma_start3A_111 = arith.constant 1 : i32
    %dma_start3A_112 = arith.constant 0 : i32
    %dma_start3A_113 = arith.constant 0 : i32
    %dma_start3A_114 = tpu.memref_slice %arg10[%dma_start3A_111, %dma_start3A_112, %dma_start3A_113] : memref<2x128x128xf32, #tpu.memory_space<vmem>> -> memref<1x128x128xf32, #tpu.memory_space<vmem>>
    %dma_start3A_115 = tpu.memref_squeeze %dma_start3A_114 : memref<1x128x128xf32, #tpu.memory_space<vmem>> -> memref<128x128xf32, #tpu.memory_space<vmem>>
    %dma_start3A_116 = arith.constant 0 : i32
    %dma_start3A_117 = tpu.memref_slice %arg6[%add3A_110, %dma_start3A_116] : memref<16384x128xf32, #tpu.memory_space<hbm>> -> memref<128x128xf32, #tpu.memory_space<hbm>>
    %dma_start3A_118 = arith.constant 0 : i32
    %dma_start3A_119 = tpu.memref_slice %arg6[%add3A_110, %dma_start3A_118] : memref<16384x128xf32, #tpu.memory_space<hbm>> -> memref<128x128xf32, #tpu.memory_space<hbm>>
    %dma_start3A_120 = arith.constant 0 : i32
    %dma_start3A_121 = arith.constant 0 : i32
    %dma_start3A_122 = tpu.memref_slice %arg10[%dma_start3A_111, %dma_start3A_120, %dma_start3A_121] : memref<2x128x128xf32, #tpu.memory_space<vmem>> -> memref<1x128x128xf32, #tpu.memory_space<vmem>>
    %dma_start3A_123 = tpu.memref_squeeze %dma_start3A_122 : memref<1x128x128xf32, #tpu.memory_space<vmem>> -> memref<128x128xf32, #tpu.memory_space<vmem>>
    tpu.enqueue_dma source(%dma_start3A_123 : memref<128x128xf32, #tpu.memory_space<vmem>>) target(%dma_start3A_119 : memref<128x128xf32, #tpu.memory_space<hbm>>) target_semaphore(%arg15 : memref<!tpu.dma_semaphore, #tpu.memory_space<semaphore_mem>>)
    %dma_start3A_124 = arith.constant 1 : i32
    %dma_start3A_125 = arith.constant 0 : i32
    %dma_start3A_126 = arith.constant 0 : i32
    %dma_start3A_127 = tpu.memref_slice %arg11[%dma_start3A_124, %dma_start3A_125, %dma_start3A_126] : memref<2x128x128xf32, #tpu.memory_space<vmem>> -> memref<1x128x128xf32, #tpu.memory_space<vmem>>
    %dma_start3A_128 = tpu.memref_squeeze %dma_start3A_127 : memref<1x128x128xf32, #tpu.memory_space<vmem>> -> memref<128x128xf32, #tpu.memory_space<vmem>>
    %dma_start3A_129 = arith.constant 0 : i32
    %dma_start3A_130 = tpu.memref_slice %arg7[%add3A_110, %dma_start3A_129] : memref<16384x128xf32, #tpu.memory_space<hbm>> -> memref<128x128xf32, #tpu.memory_space<hbm>>
    %dma_start3A_131 = arith.constant 0 : i32
    %dma_start3A_132 = tpu.memref_slice %arg7[%add3A_110, %dma_start3A_131] : memref<16384x128xf32, #tpu.memory_space<hbm>> -> memref<128x128xf32, #tpu.memory_space<hbm>>
    %dma_start3A_133 = arith.constant 0 : i32
    %dma_start3A_134 = arith.constant 0 : i32
    %dma_start3A_135 = tpu.memref_slice %arg11[%dma_start3A_124, %dma_start3A_133, %dma_start3A_134] : memref<2x128x128xf32, #tpu.memory_space<vmem>> -> memref<1x128x128xf32, #tpu.memory_space<vmem>>
    %dma_start3A_136 = tpu.memref_squeeze %dma_start3A_135 : memref<1x128x128xf32, #tpu.memory_space<vmem>> -> memref<128x128xf32, #tpu.memory_space<vmem>>
    tpu.enqueue_dma source(%dma_start3A_136 : memref<128x128xf32, #tpu.memory_space<vmem>>) target(%dma_start3A_132 : memref<128x128xf32, #tpu.memory_space<hbm>>) target_semaphore(%arg17 : memref<!tpu.dma_semaphore, #tpu.memory_space<semaphore_mem>>)
    %dma_wait3A_137 = arith.constant 0 : i32
    %dma_wait3A_138 = arith.constant 0 : i32
    %dma_wait3A_139 = arith.constant 0 : i32
    %dma_wait3A_140 = tpu.memref_slice %arg10[%dma_wait3A_137, %dma_wait3A_138, %dma_wait3A_139] : memref<2x128x128xf32, #tpu.memory_space<vmem>> -> memref<1x128x128xf32, #tpu.memory_space<vmem>>
    %dma_wait3A_141 = tpu.memref_squeeze %dma_wait3A_140 : memref<1x128x128xf32, #tpu.memory_space<vmem>> -> memref<128x128xf32, #tpu.memory_space<vmem>>
    %dma_wait3A_142 = arith.constant 0 : i32
    %dma_wait3A_143 = tpu.memref_slice %arg6[%add3A_42, %dma_wait3A_142] : memref<16384x128xf32, #tpu.memory_space<hbm>> -> memref<128x128xf32, #tpu.memory_space<hbm>>
    %dma_wait3A_144 = arith.constant 0 : i32
    %dma_wait3A_145 = tpu.memref_slice %arg6[%add3A_42, %dma_wait3A_144] : memref<16384x128xf32, #tpu.memory_space<hbm>> -> memref<128x128xf32, #tpu.memory_space<hbm>>
    %dma_wait3A_146 = arith.constant 0 : i32
    %dma_wait3A_147 = arith.constant 0 : i32
    %dma_wait3A_148 = tpu.memref_slice %arg10[%dma_wait3A_137, %dma_wait3A_146, %dma_wait3A_147] : memref<2x128x128xf32, #tpu.memory_space<vmem>> -> memref<1x128x128xf32, #tpu.memory_space<vmem>>
    %dma_wait3A_149 = tpu.memref_squeeze %dma_wait3A_148 : memref<1x128x128xf32, #tpu.memory_space<vmem>> -> memref<128x128xf32, #tpu.memory_space<vmem>>
    tpu.wait_dma2 semaphore(%arg14 : memref<!tpu.dma_semaphore, #tpu.memory_space<semaphore_mem>>) src(%dma_wait3A_149 : memref<128x128xf32, #tpu.memory_space<vmem>>) dst(%dma_wait3A_145 : memref<128x128xf32, #tpu.memory_space<hbm>>)
    %dma_wait3A_150 = arith.constant 0 : i32
    %dma_wait3A_151 = arith.constant 0 : i32
    %dma_wait3A_152 = arith.constant 0 : i32
    %dma_wait3A_153 = tpu.memref_slice %arg11[%dma_wait3A_150, %dma_wait3A_151, %dma_wait3A_152] : memref<2x128x128xf32, #tpu.memory_space<vmem>> -> memref<1x128x128xf32, #tpu.memory_space<vmem>>
    %dma_wait3A_154 = tpu.memref_squeeze %dma_wait3A_153 : memref<1x128x128xf32, #tpu.memory_space<vmem>> -> memref<128x128xf32, #tpu.memory_space<vmem>>
    %dma_wait3A_155 = arith.constant 0 : i32
    %dma_wait3A_156 = tpu.memref_slice %arg7[%add3A_42, %dma_wait3A_155] : memref<16384x128xf32, #tpu.memory_space<hbm>> -> memref<128x128xf32, #tpu.memory_space<hbm>>
    %dma_wait3A_157 = arith.constant 0 : i32
    %dma_wait3A_158 = tpu.memref_slice %arg7[%add3A_42, %dma_wait3A_157] : memref<16384x128xf32, #tpu.memory_space<hbm>> -> memref<128x128xf32, #tpu.memory_space<hbm>>
    %dma_wait3A_159 = arith.constant 0 : i32
    %dma_wait3A_160 = arith.constant 0 : i32
    %dma_wait3A_161 = tpu.memref_slice %arg11[%dma_wait3A_150, %dma_wait3A_159, %dma_wait3A_160] : memref<2x128x128xf32, #tpu.memory_space<vmem>> -> memref<1x128x128xf32, #tpu.memory_space<vmem>>
    %dma_wait3A_162 = tpu.memref_squeeze %dma_wait3A_161 : memref<1x128x128xf32, #tpu.memory_space<vmem>> -> memref<128x128xf32, #tpu.memory_space<vmem>>
    tpu.wait_dma2 semaphore(%arg16 : memref<!tpu.dma_semaphore, #tpu.memory_space<semaphore_mem>>) src(%dma_wait3A_162 : memref<128x128xf32, #tpu.memory_space<vmem>>) dst(%dma_wait3A_158 : memref<128x128xf32, #tpu.memory_space<hbm>>)
    %dma_start3A_163 = arith.constant 0 : i32
    %dma_start3A_164 = arith.constant 0 : i32
    %dma_start3A_165 = arith.constant 0 : i32
    %dma_start3A_166 = tpu.memref_slice %arg10[%dma_start3A_163, %dma_start3A_164, %dma_start3A_165] : memref<2x128x128xf32, #tpu.memory_space<vmem>> -> memref<1x128x128xf32, #tpu.memory_space<vmem>>
    %dma_start3A_167 = tpu.memref_squeeze %dma_start3A_166 : memref<1x128x128xf32, #tpu.memory_space<vmem>> -> memref<128x128xf32, #tpu.memory_space<vmem>>
    %dma_start3A_168 = arith.constant 256 : i32
    %dma_start3A_169 = tpu.memref_slice %arg8[%dma_start3A_168] : memref<512xi32, #tpu.memory_space<vmem>> -> memref<128xi32, #tpu.memory_space<vmem>>
    %dma_start3A_170 = arith.constant 0 : i32
    %dma_start3A_171 = arith.constant 0 : i32
    %dma_start3A_172 = tpu.memref_slice %arg4[%dma_start3A_170, %dma_start3A_171] : memref<253952x128xf32, #tpu.memory_space<hbm>> -> memref<253952x128xf32, #tpu.memory_space<hbm>>
    tpu.enqueue_indirect_dma source(%dma_start3A_172 : memref<253952x128xf32, #tpu.memory_space<hbm>>) target(%dma_start3A_167 : memref<128x128xf32, #tpu.memory_space<vmem>>) offsets(%dma_start3A_169 : memref<128xi32, #tpu.memory_space<vmem>>) semaphore(%arg12 : memref<!tpu.dma_semaphore, #tpu.memory_space<semaphore_mem>>)
    %dma_start3A_173 = arith.constant 0 : i32
    %dma_start3A_174 = arith.constant 0 : i32
    %dma_start3A_175 = arith.constant 0 : i32
    %dma_start3A_176 = tpu.memref_slice %arg11[%dma_start3A_173, %dma_start3A_174, %dma_start3A_175] : memref<2x128x128xf32, #tpu.memory_space<vmem>> -> memref<1x128x128xf32, #tpu.memory_space<vmem>>
    %dma_start3A_177 = tpu.memref_squeeze %dma_start3A_176 : memref<1x128x128xf32, #tpu.memory_space<vmem>> -> memref<128x128xf32, #tpu.memory_space<vmem>>
    %dma_start3A_178 = arith.constant 256 : i32
    %dma_start3A_179 = tpu.memref_slice %arg9[%dma_start3A_178] : memref<512xi32, #tpu.memory_space<vmem>> -> memref<128xi32, #tpu.memory_space<vmem>>
    %dma_start3A_180 = arith.constant 0 : i32
    %dma_start3A_181 = arith.constant 0 : i32
    %dma_start3A_182 = tpu.memref_slice %arg5[%dma_start3A_180, %dma_start3A_181] : memref<28672x128xf32, #tpu.memory_space<hbm>> -> memref<28672x128xf32, #tpu.memory_space<hbm>>
    tpu.enqueue_indirect_dma source(%dma_start3A_182 : memref<28672x128xf32, #tpu.memory_space<hbm>>) target(%dma_start3A_177 : memref<128x128xf32, #tpu.memory_space<vmem>>) offsets(%dma_start3A_179 : memref<128xi32, #tpu.memory_space<vmem>>) semaphore(%arg13 : memref<!tpu.dma_semaphore, #tpu.memory_space<semaphore_mem>>)
    %dma_wait3A_183 = arith.constant 0 : i32
    %dma_wait3A_184 = arith.constant 0 : i32
    %dma_wait3A_185 = arith.constant 0 : i32
    %dma_wait3A_186 = tpu.memref_slice %arg10[%dma_wait3A_183, %dma_wait3A_184, %dma_wait3A_185] : memref<2x128x128xf32, #tpu.memory_space<vmem>> -> memref<1x128x128xf32, #tpu.memory_space<vmem>>
    %dma_wait3A_187 = tpu.memref_squeeze %dma_wait3A_186 : memref<1x128x128xf32, #tpu.memory_space<vmem>> -> memref<128x128xf32, #tpu.memory_space<vmem>>
    %dma_wait3A_188 = arith.constant 256 : i32
    %dma_wait3A_189 = tpu.memref_slice %arg8[%dma_wait3A_188] : memref<512xi32, #tpu.memory_space<vmem>> -> memref<128xi32, #tpu.memory_space<vmem>>
    %dma_wait3A_190 = arith.constant 0 : i32
    %dma_wait3A_191 = arith.constant 0 : i32
    %dma_wait3A_192 = tpu.memref_slice %arg4[%dma_wait3A_190, %dma_wait3A_191] : memref<253952x128xf32, #tpu.memory_space<hbm>> -> memref<253952x128xf32, #tpu.memory_space<hbm>>
    tpu.wait_indirect_dma semaphore(%arg12 : memref<!tpu.dma_semaphore, #tpu.memory_space<semaphore_mem>>) src(%dma_wait3A_192 : memref<253952x128xf32, #tpu.memory_space<hbm>>) dst(%dma_wait3A_187 : memref<128x128xf32, #tpu.memory_space<vmem>>)
    %dma_wait3A_193 = arith.constant 0 : i32
    %dma_wait3A_194 = arith.constant 0 : i32
    %dma_wait3A_195 = arith.constant 0 : i32
    %dma_wait3A_196 = tpu.memref_slice %arg11[%dma_wait3A_193, %dma_wait3A_194, %dma_wait3A_195] : memref<2x128x128xf32, #tpu.memory_space<vmem>> -> memref<1x128x128xf32, #tpu.memory_space<vmem>>
    %dma_wait3A_197 = tpu.memref_squeeze %dma_wait3A_196 : memref<1x128x128xf32, #tpu.memory_space<vmem>> -> memref<128x128xf32, #tpu.memory_space<vmem>>
    %dma_wait3A_198 = arith.constant 256 : i32
    %dma_wait3A_199 = tpu.memref_slice %arg9[%dma_wait3A_198] : memref<512xi32, #tpu.memory_space<vmem>> -> memref<128xi32, #tpu.memory_space<vmem>>
    %dma_wait3A_200 = arith.constant 0 : i32
    %dma_wait3A_201 = arith.constant 0 : i32
    %dma_wait3A_202 = tpu.memref_slice %arg5[%dma_wait3A_200, %dma_wait3A_201] : memref<28672x128xf32, #tpu.memory_space<hbm>> -> memref<28672x128xf32, #tpu.memory_space<hbm>>
    tpu.wait_indirect_dma semaphore(%arg13 : memref<!tpu.dma_semaphore, #tpu.memory_space<semaphore_mem>>) src(%dma_wait3A_202 : memref<28672x128xf32, #tpu.memory_space<hbm>>) dst(%dma_wait3A_197 : memref<128x128xf32, #tpu.memory_space<vmem>>)
    %add3A_203 = arith.constant 256 : i32
    %add3A_204 = arith.addi %mul3A_2, %add3A_203 : i32
    %dma_start3A_205 = arith.constant 0 : i32
    %dma_start3A_206 = arith.constant 0 : i32
    %dma_start3A_207 = arith.constant 0 : i32
    %dma_start3A_208 = tpu.memref_slice %arg10[%dma_start3A_205, %dma_start3A_206, %dma_start3A_207] : memref<2x128x128xf32, #tpu.memory_space<vmem>> -> memref<1x128x128xf32, #tpu.memory_space<vmem>>
    %dma_start3A_209 = tpu.memref_squeeze %dma_start3A_208 : memref<1x128x128xf32, #tpu.memory_space<vmem>> -> memref<128x128xf32, #tpu.memory_space<vmem>>
    %dma_start3A_210 = arith.constant 0 : i32
    %dma_start3A_211 = tpu.memref_slice %arg6[%add3A_204, %dma_start3A_210] : memref<16384x128xf32, #tpu.memory_space<hbm>> -> memref<128x128xf32, #tpu.memory_space<hbm>>
    %dma_start3A_212 = arith.constant 0 : i32
    %dma_start3A_213 = tpu.memref_slice %arg6[%add3A_204, %dma_start3A_212] : memref<16384x128xf32, #tpu.memory_space<hbm>> -> memref<128x128xf32, #tpu.memory_space<hbm>>
    %dma_start3A_214 = arith.constant 0 : i32
    %dma_start3A_215 = arith.constant 0 : i32
    %dma_start3A_216 = tpu.memref_slice %arg10[%dma_start3A_205, %dma_start3A_214, %dma_start3A_215] : memref<2x128x128xf32, #tpu.memory_space<vmem>> -> memref<1x128x128xf32, #tpu.memory_space<vmem>>
    %dma_start3A_217 = tpu.memref_squeeze %dma_start3A_216 : memref<1x128x128xf32, #tpu.memory_space<vmem>> -> memref<128x128xf32, #tpu.memory_space<vmem>>
    tpu.enqueue_dma source(%dma_start3A_217 : memref<128x128xf32, #tpu.memory_space<vmem>>) target(%dma_start3A_213 : memref<128x128xf32, #tpu.memory_space<hbm>>) target_semaphore(%arg14 : memref<!tpu.dma_semaphore, #tpu.memory_space<semaphore_mem>>)
    %dma_start3A_218 = arith.constant 0 : i32
    %dma_start3A_219 = arith.constant 0 : i32
    %dma_start3A_220 = arith.constant 0 : i32
    %dma_start3A_221 = tpu.memref_slice %arg11[%dma_start3A_218, %dma_start3A_219, %dma_start3A_220] : memref<2x128x128xf32, #tpu.memory_space<vmem>> -> memref<1x128x128xf32, #tpu.memory_space<vmem>>
    %dma_start3A_222 = tpu.memref_squeeze %dma_start3A_221 : memref<1x128x128xf32, #tpu.memory_space<vmem>> -> memref<128x128xf32, #tpu.memory_space<vmem>>
    %dma_start3A_223 = arith.constant 0 : i32
    %dma_start3A_224 = tpu.memref_slice %arg7[%add3A_204, %dma_start3A_223] : memref<16384x128xf32, #tpu.memory_space<hbm>> -> memref<128x128xf32, #tpu.memory_space<hbm>>
    %dma_start3A_225 = arith.constant 0 : i32
    %dma_start3A_226 = tpu.memref_slice %arg7[%add3A_204, %dma_start3A_225] : memref<16384x128xf32, #tpu.memory_space<hbm>> -> memref<128x128xf32, #tpu.memory_space<hbm>>
    %dma_start3A_227 = arith.constant 0 : i32
    %dma_start3A_228 = arith.constant 0 : i32
    %dma_start3A_229 = tpu.memref_slice %arg11[%dma_start3A_218, %dma_start3A_227, %dma_start3A_228] : memref<2x128x128xf32, #tpu.memory_space<vmem>> -> memref<1x128x128xf32, #tpu.memory_space<vmem>>
    %dma_start3A_230 = tpu.memref_squeeze %dma_start3A_229 : memref<1x128x128xf32, #tpu.memory_space<vmem>> -> memref<128x128xf32, #tpu.memory_space<vmem>>
    tpu.enqueue_dma source(%dma_start3A_230 : memref<128x128xf32, #tpu.memory_space<vmem>>) target(%dma_start3A_226 : memref<128x128xf32, #tpu.memory_space<hbm>>) target_semaphore(%arg16 : memref<!tpu.dma_semaphore, #tpu.memory_space<semaphore_mem>>)
    %dma_wait3A_231 = arith.constant 1 : i32
    %dma_wait3A_232 = arith.constant 0 : i32
    %dma_wait3A_233 = arith.constant 0 : i32
    %dma_wait3A_234 = tpu.memref_slice %arg10[%dma_wait3A_231, %dma_wait3A_232, %dma_wait3A_233] : memref<2x128x128xf32, #tpu.memory_space<vmem>> -> memref<1x128x128xf32, #tpu.memory_space<vmem>>
    %dma_wait3A_235 = tpu.memref_squeeze %dma_wait3A_234 : memref<1x128x128xf32, #tpu.memory_space<vmem>> -> memref<128x128xf32, #tpu.memory_space<vmem>>
    %dma_wait3A_236 = arith.constant 0 : i32
    %dma_wait3A_237 = tpu.memref_slice %arg6[%add3A_110, %dma_wait3A_236] : memref<16384x128xf32, #tpu.memory_space<hbm>> -> memref<128x128xf32, #tpu.memory_space<hbm>>
    %dma_wait3A_238 = arith.constant 0 : i32
    %dma_wait3A_239 = tpu.memref_slice %arg6[%add3A_110, %dma_wait3A_238] : memref<16384x128xf32, #tpu.memory_space<hbm>> -> memref<128x128xf32, #tpu.memory_space<hbm>>
    %dma_wait3A_240 = arith.constant 0 : i32
    %dma_wait3A_241 = arith.constant 0 : i32
    %dma_wait3A_242 = tpu.memref_slice %arg10[%dma_wait3A_231, %dma_wait3A_240, %dma_wait3A_241] : memref<2x128x128xf32, #tpu.memory_space<vmem>> -> memref<1x128x128xf32, #tpu.memory_space<vmem>>
    %dma_wait3A_243 = tpu.memref_squeeze %dma_wait3A_242 : memref<1x128x128xf32, #tpu.memory_space<vmem>> -> memref<128x128xf32, #tpu.memory_space<vmem>>
    tpu.wait_dma2 semaphore(%arg15 : memref<!tpu.dma_semaphore, #tpu.memory_space<semaphore_mem>>) src(%dma_wait3A_243 : memref<128x128xf32, #tpu.memory_space<vmem>>) dst(%dma_wait3A_239 : memref<128x128xf32, #tpu.memory_space<hbm>>)
    %dma_wait3A_244 = arith.constant 1 : i32
    %dma_wait3A_245 = arith.constant 0 : i32
    %dma_wait3A_246 = arith.constant 0 : i32
    %dma_wait3A_247 = tpu.memref_slice %arg11[%dma_wait3A_244, %dma_wait3A_245, %dma_wait3A_246] : memref<2x128x128xf32, #tpu.memory_space<vmem>> -> memref<1x128x128xf32, #tpu.memory_space<vmem>>
    %dma_wait3A_248 = tpu.memref_squeeze %dma_wait3A_247 : memref<1x128x128xf32, #tpu.memory_space<vmem>> -> memref<128x128xf32, #tpu.memory_space<vmem>>
    %dma_wait3A_249 = arith.constant 0 : i32
    %dma_wait3A_250 = tpu.memref_slice %arg7[%add3A_110, %dma_wait3A_249] : memref<16384x128xf32, #tpu.memory_space<hbm>> -> memref<128x128xf32, #tpu.memory_space<hbm>>
    %dma_wait3A_251 = arith.constant 0 : i32
    %dma_wait3A_252 = tpu.memref_slice %arg7[%add3A_110, %dma_wait3A_251] : memref<16384x128xf32, #tpu.memory_space<hbm>> -> memref<128x128xf32, #tpu.memory_space<hbm>>
    %dma_wait3A_253 = arith.constant 0 : i32
    %dma_wait3A_254 = arith.constant 0 : i32
    %dma_wait3A_255 = tpu.memref_slice %arg11[%dma_wait3A_244, %dma_wait3A_253, %dma_wait3A_254] : memref<2x128x128xf32, #tpu.memory_space<vmem>> -> memref<1x128x128xf32, #tpu.memory_space<vmem>>
    %dma_wait3A_256 = tpu.memref_squeeze %dma_wait3A_255 : memref<1x128x128xf32, #tpu.memory_space<vmem>> -> memref<128x128xf32, #tpu.memory_space<vmem>>
    tpu.wait_dma2 semaphore(%arg17 : memref<!tpu.dma_semaphore, #tpu.memory_space<semaphore_mem>>) src(%dma_wait3A_256 : memref<128x128xf32, #tpu.memory_space<vmem>>) dst(%dma_wait3A_252 : memref<128x128xf32, #tpu.memory_space<hbm>>)
    %dma_start3A_257 = arith.constant 1 : i32
    %dma_start3A_258 = arith.constant 0 : i32
    %dma_start3A_259 = arith.constant 0 : i32
    %dma_start3A_260 = tpu.memref_slice %arg10[%dma_start3A_257, %dma_start3A_258, %dma_start3A_259] : memref<2x128x128xf32, #tpu.memory_space<vmem>> -> memref<1x128x128xf32, #tpu.memory_space<vmem>>
    %dma_start3A_261 = tpu.memref_squeeze %dma_start3A_260 : memref<1x128x128xf32, #tpu.memory_space<vmem>> -> memref<128x128xf32, #tpu.memory_space<vmem>>
    %dma_start3A_262 = arith.constant 384 : i32
    %dma_start3A_263 = tpu.memref_slice %arg8[%dma_start3A_262] : memref<512xi32, #tpu.memory_space<vmem>> -> memref<128xi32, #tpu.memory_space<vmem>>
    %dma_start3A_264 = arith.constant 0 : i32
    %dma_start3A_265 = arith.constant 0 : i32
    %dma_start3A_266 = tpu.memref_slice %arg4[%dma_start3A_264, %dma_start3A_265] : memref<253952x128xf32, #tpu.memory_space<hbm>> -> memref<253952x128xf32, #tpu.memory_space<hbm>>
    tpu.enqueue_indirect_dma source(%dma_start3A_266 : memref<253952x128xf32, #tpu.memory_space<hbm>>) target(%dma_start3A_261 : memref<128x128xf32, #tpu.memory_space<vmem>>) offsets(%dma_start3A_263 : memref<128xi32, #tpu.memory_space<vmem>>) semaphore(%arg12 : memref<!tpu.dma_semaphore, #tpu.memory_space<semaphore_mem>>)
    %dma_start3A_267 = arith.constant 1 : i32
    %dma_start3A_268 = arith.constant 0 : i32
    %dma_start3A_269 = arith.constant 0 : i32
    %dma_start3A_270 = tpu.memref_slice %arg11[%dma_start3A_267, %dma_start3A_268, %dma_start3A_269] : memref<2x128x128xf32, #tpu.memory_space<vmem>> -> memref<1x128x128xf32, #tpu.memory_space<vmem>>
    %dma_start3A_271 = tpu.memref_squeeze %dma_start3A_270 : memref<1x128x128xf32, #tpu.memory_space<vmem>> -> memref<128x128xf32, #tpu.memory_space<vmem>>
    %dma_start3A_272 = arith.constant 384 : i32
    %dma_start3A_273 = tpu.memref_slice %arg9[%dma_start3A_272] : memref<512xi32, #tpu.memory_space<vmem>> -> memref<128xi32, #tpu.memory_space<vmem>>
    %dma_start3A_274 = arith.constant 0 : i32
    %dma_start3A_275 = arith.constant 0 : i32
    %dma_start3A_276 = tpu.memref_slice %arg5[%dma_start3A_274, %dma_start3A_275] : memref<28672x128xf32, #tpu.memory_space<hbm>> -> memref<28672x128xf32, #tpu.memory_space<hbm>>
    tpu.enqueue_indirect_dma source(%dma_start3A_276 : memref<28672x128xf32, #tpu.memory_space<hbm>>) target(%dma_start3A_271 : memref<128x128xf32, #tpu.memory_space<vmem>>) offsets(%dma_start3A_273 : memref<128xi32, #tpu.memory_space<vmem>>) semaphore(%arg13 : memref<!tpu.dma_semaphore, #tpu.memory_space<semaphore_mem>>)
    %dma_wait3A_277 = arith.constant 1 : i32
    %dma_wait3A_278 = arith.constant 0 : i32
    %dma_wait3A_279 = arith.constant 0 : i32
    %dma_wait3A_280 = tpu.memref_slice %arg10[%dma_wait3A_277, %dma_wait3A_278, %dma_wait3A_279] : memref<2x128x128xf32, #tpu.memory_space<vmem>> -> memref<1x128x128xf32, #tpu.memory_space<vmem>>
    %dma_wait3A_281 = tpu.memref_squeeze %dma_wait3A_280 : memref<1x128x128xf32, #tpu.memory_space<vmem>> -> memref<128x128xf32, #tpu.memory_space<vmem>>
    %dma_wait3A_282 = arith.constant 384 : i32
    %dma_wait3A_283 = tpu.memref_slice %arg8[%dma_wait3A_282] : memref<512xi32, #tpu.memory_space<vmem>> -> memref<128xi32, #tpu.memory_space<vmem>>
    %dma_wait3A_284 = arith.constant 0 : i32
    %dma_wait3A_285 = arith.constant 0 : i32
    %dma_wait3A_286 = tpu.memref_slice %arg4[%dma_wait3A_284, %dma_wait3A_285] : memref<253952x128xf32, #tpu.memory_space<hbm>> -> memref<253952x128xf32, #tpu.memory_space<hbm>>
    tpu.wait_indirect_dma semaphore(%arg12 : memref<!tpu.dma_semaphore, #tpu.memory_space<semaphore_mem>>) src(%dma_wait3A_286 : memref<253952x128xf32, #tpu.memory_space<hbm>>) dst(%dma_wait3A_281 : memref<128x128xf32, #tpu.memory_space<vmem>>)
    %dma_wait3A_287 = arith.constant 1 : i32
    %dma_wait3A_288 = arith.constant 0 : i32
    %dma_wait3A_289 = arith.constant 0 : i32
    %dma_wait3A_290 = tpu.memref_slice %arg11[%dma_wait3A_287, %dma_wait3A_288, %dma_wait3A_289] : memref<2x128x128xf32, #tpu.memory_space<vmem>> -> memref<1x128x128xf32, #tpu.memory_space<vmem>>
    %dma_wait3A_291 = tpu.memref_squeeze %dma_wait3A_290 : memref<1x128x128xf32, #tpu.memory_space<vmem>> -> memref<128x128xf32, #tpu.memory_space<vmem>>
    %dma_wait3A_292 = arith.constant 384 : i32
    %dma_wait3A_293 = tpu.memref_slice %arg9[%dma_wait3A_292] : memref<512xi32, #tpu.memory_space<vmem>> -> memref<128xi32, #tpu.memory_space<vmem>>
    %dma_wait3A_294 = arith.constant 0 : i32
    %dma_wait3A_295 = arith.constant 0 : i32
    %dma_wait3A_296 = tpu.memref_slice %arg5[%dma_wait3A_294, %dma_wait3A_295] : memref<28672x128xf32, #tpu.memory_space<hbm>> -> memref<28672x128xf32, #tpu.memory_space<hbm>>
    tpu.wait_indirect_dma semaphore(%arg13 : memref<!tpu.dma_semaphore, #tpu.memory_space<semaphore_mem>>) src(%dma_wait3A_296 : memref<28672x128xf32, #tpu.memory_space<hbm>>) dst(%dma_wait3A_291 : memref<128x128xf32, #tpu.memory_space<vmem>>)
    %add3A_297 = arith.constant 384 : i32
    %add3A_298 = arith.addi %mul3A_2, %add3A_297 : i32
    %dma_start3A_299 = arith.constant 1 : i32
    %dma_start3A_300 = arith.constant 0 : i32
    %dma_start3A_301 = arith.constant 0 : i32
    %dma_start3A_302 = tpu.memref_slice %arg10[%dma_start3A_299, %dma_start3A_300, %dma_start3A_301] : memref<2x128x128xf32, #tpu.memory_space<vmem>> -> memref<1x128x128xf32, #tpu.memory_space<vmem>>
    %dma_start3A_303 = tpu.memref_squeeze %dma_start3A_302 : memref<1x128x128xf32, #tpu.memory_space<vmem>> -> memref<128x128xf32, #tpu.memory_space<vmem>>
    %dma_start3A_304 = arith.constant 0 : i32
    %dma_start3A_305 = tpu.memref_slice %arg6[%add3A_298, %dma_start3A_304] : memref<16384x128xf32, #tpu.memory_space<hbm>> -> memref<128x128xf32, #tpu.memory_space<hbm>>
    %dma_start3A_306 = arith.constant 0 : i32
    %dma_start3A_307 = tpu.memref_slice %arg6[%add3A_298, %dma_start3A_306] : memref<16384x128xf32, #tpu.memory_space<hbm>> -> memref<128x128xf32, #tpu.memory_space<hbm>>
    %dma_start3A_308 = arith.constant 0 : i32
    %dma_start3A_309 = arith.constant 0 : i32
    %dma_start3A_310 = tpu.memref_slice %arg10[%dma_start3A_299, %dma_start3A_308, %dma_start3A_309] : memref<2x128x128xf32, #tpu.memory_space<vmem>> -> memref<1x128x128xf32, #tpu.memory_space<vmem>>
    %dma_start3A_311 = tpu.memref_squeeze %dma_start3A_310 : memref<1x128x128xf32, #tpu.memory_space<vmem>> -> memref<128x128xf32, #tpu.memory_space<vmem>>
    tpu.enqueue_dma source(%dma_start3A_311 : memref<128x128xf32, #tpu.memory_space<vmem>>) target(%dma_start3A_307 : memref<128x128xf32, #tpu.memory_space<hbm>>) target_semaphore(%arg15 : memref<!tpu.dma_semaphore, #tpu.memory_space<semaphore_mem>>)
    %dma_start3A_312 = arith.constant 1 : i32
    %dma_start3A_313 = arith.constant 0 : i32
    %dma_start3A_314 = arith.constant 0 : i32
    %dma_start3A_315 = tpu.memref_slice %arg11[%dma_start3A_312, %dma_start3A_313, %dma_start3A_314] : memref<2x128x128xf32, #tpu.memory_space<vmem>> -> memref<1x128x128xf32, #tpu.memory_space<vmem>>
    %dma_start3A_316 = tpu.memref_squeeze %dma_start3A_315 : memref<1x128x128xf32, #tpu.memory_space<vmem>> -> memref<128x128xf32, #tpu.memory_space<vmem>>
    %dma_start3A_317 = arith.constant 0 : i32
    %dma_start3A_318 = tpu.memref_slice %arg7[%add3A_298, %dma_start3A_317] : memref<16384x128xf32, #tpu.memory_space<hbm>> -> memref<128x128xf32, #tpu.memory_space<hbm>>
    %dma_start3A_319 = arith.constant 0 : i32
    %dma_start3A_320 = tpu.memref_slice %arg7[%add3A_298, %dma_start3A_319] : memref<16384x128xf32, #tpu.memory_space<hbm>> -> memref<128x128xf32, #tpu.memory_space<hbm>>
    %dma_start3A_321 = arith.constant 0 : i32
    %dma_start3A_322 = arith.constant 0 : i32
    %dma_start3A_323 = tpu.memref_slice %arg11[%dma_start3A_312, %dma_start3A_321, %dma_start3A_322] : memref<2x128x128xf32, #tpu.memory_space<vmem>> -> memref<1x128x128xf32, #tpu.memory_space<vmem>>
    %dma_start3A_324 = tpu.memref_squeeze %dma_start3A_323 : memref<1x128x128xf32, #tpu.memory_space<vmem>> -> memref<128x128xf32, #tpu.memory_space<vmem>>
    tpu.enqueue_dma source(%dma_start3A_324 : memref<128x128xf32, #tpu.memory_space<vmem>>) target(%dma_start3A_320 : memref<128x128xf32, #tpu.memory_space<hbm>>) target_semaphore(%arg17 : memref<!tpu.dma_semaphore, #tpu.memory_space<semaphore_mem>>)
    %dma_wait3A_325 = arith.constant 0 : i32
    %dma_wait3A_326 = arith.constant 0 : i32
    %dma_wait3A_327 = arith.constant 0 : i32
    %dma_wait3A_328 = tpu.memref_slice %arg10[%dma_wait3A_325, %dma_wait3A_326, %dma_wait3A_327] : memref<2x128x128xf32, #tpu.memory_space<vmem>> -> memref<1x128x128xf32, #tpu.memory_space<vmem>>
    %dma_wait3A_329 = tpu.memref_squeeze %dma_wait3A_328 : memref<1x128x128xf32, #tpu.memory_space<vmem>> -> memref<128x128xf32, #tpu.memory_space<vmem>>
    %dma_wait3A_330 = arith.constant 0 : i32
    %dma_wait3A_331 = tpu.memref_slice %arg6[%add3A_204, %dma_wait3A_330] : memref<16384x128xf32, #tpu.memory_space<hbm>> -> memref<128x128xf32, #tpu.memory_space<hbm>>
    %dma_wait3A_332 = arith.constant 0 : i32
    %dma_wait3A_333 = tpu.memref_slice %arg6[%add3A_204, %dma_wait3A_332] : memref<16384x128xf32, #tpu.memory_space<hbm>> -> memref<128x128xf32, #tpu.memory_space<hbm>>
    %dma_wait3A_334 = arith.constant 0 : i32
    %dma_wait3A_335 = arith.constant 0 : i32
    %dma_wait3A_336 = tpu.memref_slice %arg10[%dma_wait3A_325, %dma_wait3A_334, %dma_wait3A_335] : memref<2x128x128xf32, #tpu.memory_space<vmem>> -> memref<1x128x128xf32, #tpu.memory_space<vmem>>
    %dma_wait3A_337 = tpu.memref_squeeze %dma_wait3A_336 : memref<1x128x128xf32, #tpu.memory_space<vmem>> -> memref<128x128xf32, #tpu.memory_space<vmem>>
    tpu.wait_dma2 semaphore(%arg14 : memref<!tpu.dma_semaphore, #tpu.memory_space<semaphore_mem>>) src(%dma_wait3A_337 : memref<128x128xf32, #tpu.memory_space<vmem>>) dst(%dma_wait3A_333 : memref<128x128xf32, #tpu.memory_space<hbm>>)
    %dma_wait3A_338 = arith.constant 0 : i32
    %dma_wait3A_339 = arith.constant 0 : i32
    %dma_wait3A_340 = arith.constant 0 : i32
    %dma_wait3A_341 = tpu.memref_slice %arg11[%dma_wait3A_338, %dma_wait3A_339, %dma_wait3A_340] : memref<2x128x128xf32, #tpu.memory_space<vmem>> -> memref<1x128x128xf32, #tpu.memory_space<vmem>>
    %dma_wait3A_342 = tpu.memref_squeeze %dma_wait3A_341 : memref<1x128x128xf32, #tpu.memory_space<vmem>> -> memref<128x128xf32, #tpu.memory_space<vmem>>
    %dma_wait3A_343 = arith.constant 0 : i32
    %dma_wait3A_344 = tpu.memref_slice %arg7[%add3A_204, %dma_wait3A_343] : memref<16384x128xf32, #tpu.memory_space<hbm>> -> memref<128x128xf32, #tpu.memory_space<hbm>>
    %dma_wait3A_345 = arith.constant 0 : i32
    %dma_wait3A_346 = tpu.memref_slice %arg7[%add3A_204, %dma_wait3A_345] : memref<16384x128xf32, #tpu.memory_space<hbm>> -> memref<128x128xf32, #tpu.memory_space<hbm>>
    %dma_wait3A_347 = arith.constant 0 : i32
    %dma_wait3A_348 = arith.constant 0 : i32
    %dma_wait3A_349 = tpu.memref_slice %arg11[%dma_wait3A_338, %dma_wait3A_347, %dma_wait3A_348] : memref<2x128x128xf32, #tpu.memory_space<vmem>> -> memref<1x128x128xf32, #tpu.memory_space<vmem>>
    %dma_wait3A_350 = tpu.memref_squeeze %dma_wait3A_349 : memref<1x128x128xf32, #tpu.memory_space<vmem>> -> memref<128x128xf32, #tpu.memory_space<vmem>>
    tpu.wait_dma2 semaphore(%arg16 : memref<!tpu.dma_semaphore, #tpu.memory_space<semaphore_mem>>) src(%dma_wait3A_350 : memref<128x128xf32, #tpu.memory_space<vmem>>) dst(%dma_wait3A_346 : memref<128x128xf32, #tpu.memory_space<hbm>>)
    %dma_wait3A_351 = arith.constant 1 : i32
    %dma_wait3A_352 = arith.constant 0 : i32
    %dma_wait3A_353 = arith.constant 0 : i32
    %dma_wait3A_354 = tpu.memref_slice %arg10[%dma_wait3A_351, %dma_wait3A_352, %dma_wait3A_353] : memref<2x128x128xf32, #tpu.memory_space<vmem>> -> memref<1x128x128xf32, #tpu.memory_space<vmem>>
    %dma_wait3A_355 = tpu.memref_squeeze %dma_wait3A_354 : memref<1x128x128xf32, #tpu.memory_space<vmem>> -> memref<128x128xf32, #tpu.memory_space<vmem>>
    %dma_wait3A_356 = arith.constant 0 : i32
    %dma_wait3A_357 = tpu.memref_slice %arg6[%add3A_298, %dma_wait3A_356] : memref<16384x128xf32, #tpu.memory_space<hbm>> -> memref<128x128xf32, #tpu.memory_space<hbm>>
    %dma_wait3A_358 = arith.constant 0 : i32
    %dma_wait3A_359 = tpu.memref_slice %arg6[%add3A_298, %dma_wait3A_358] : memref<16384x128xf32, #tpu.memory_space<hbm>> -> memref<128x128xf32, #tpu.memory_space<hbm>>
    %dma_wait3A_360 = arith.constant 0 : i32
    %dma_wait3A_361 = arith.constant 0 : i32
    %dma_wait3A_362 = tpu.memref_slice %arg10[%dma_wait3A_351, %dma_wait3A_360, %dma_wait3A_361] : memref<2x128x128xf32, #tpu.memory_space<vmem>> -> memref<1x128x128xf32, #tpu.memory_space<vmem>>
    %dma_wait3A_363 = tpu.memref_squeeze %dma_wait3A_362 : memref<1x128x128xf32, #tpu.memory_space<vmem>> -> memref<128x128xf32, #tpu.memory_space<vmem>>
    tpu.wait_dma2 semaphore(%arg15 : memref<!tpu.dma_semaphore, #tpu.memory_space<semaphore_mem>>) src(%dma_wait3A_363 : memref<128x128xf32, #tpu.memory_space<vmem>>) dst(%dma_wait3A_359 : memref<128x128xf32, #tpu.memory_space<hbm>>)
    %dma_wait3A_364 = arith.constant 1 : i32
    %dma_wait3A_365 = arith.constant 0 : i32
    %dma_wait3A_366 = arith.constant 0 : i32
    %dma_wait3A_367 = tpu.memref_slice %arg11[%dma_wait3A_364, %dma_wait3A_365, %dma_wait3A_366] : memref<2x128x128xf32, #tpu.memory_space<vmem>> -> memref<1x128x128xf32, #tpu.memory_space<vmem>>
    %dma_wait3A_368 = tpu.memref_squeeze %dma_wait3A_367 : memref<1x128x128xf32, #tpu.memory_space<vmem>> -> memref<128x128xf32, #tpu.memory_space<vmem>>
    %dma_wait3A_369 = arith.constant 0 : i32
    %dma_wait3A_370 = tpu.memref_slice %arg7[%add3A_298, %dma_wait3A_369] : memref<16384x128xf32, #tpu.memory_space<hbm>> -> memref<128x128xf32, #tpu.memory_space<hbm>>
    %dma_wait3A_371 = arith.constant 0 : i32
    %dma_wait3A_372 = tpu.memref_slice %arg7[%add3A_298, %dma_wait3A_371] : memref<16384x128xf32, #tpu.memory_space<hbm>> -> memref<128x128xf32, #tpu.memory_space<hbm>>
    %dma_wait3A_373 = arith.constant 0 : i32
    %dma_wait3A_374 = arith.constant 0 : i32
    %dma_wait3A_375 = tpu.memref_slice %arg11[%dma_wait3A_364, %dma_wait3A_373, %dma_wait3A_374] : memref<2x128x128xf32, #tpu.memory_space<vmem>> -> memref<1x128x128xf32, #tpu.memory_space<vmem>>
    %dma_wait3A_376 = tpu.memref_squeeze %dma_wait3A_375 : memref<1x128x128xf32, #tpu.memory_space<vmem>> -> memref<128x128xf32, #tpu.memory_space<vmem>>
    tpu.wait_dma2 semaphore(%arg17 : memref<!tpu.dma_semaphore, #tpu.memory_space<semaphore_mem>>) src(%dma_wait3A_376 : memref<128x128xf32, #tpu.memory_space<vmem>>) dst(%dma_wait3A_372 : memref<128x128xf32, #tpu.memory_space<hbm>>)
    return
  }
}

module attributes {stable_mosaic.version = 14 : i64} {
  func.func @_tp_body(%arg0: i32, %arg1: memref<64x16384xf32, #tpu.memory_space<vmem>>, %arg2: memref<4096x128xf32, #tpu.memory_space<vmem>>) attributes {dimension_semantics = [#tpu.dimension_semantics<arbitrary>], iteration_bounds = array<i64: 7>, scalar_prefetch = 0 : i64, scratch_operands = 0 : i64, tpu.core_type = #tpu.core_type<tc>, window_params = [{transform_indices = @transform_0, window_bounds = array<i64: 64, 16384>}, {transform_indices = @transform_1, window_bounds = array<i64: 4096, 128>}]} {
    %get3A = arith.constant 0 : index
    %get3A_0 = arith.constant 0 : index
    %get3A_1 = vector.load %arg1[%get3A, %get3A_0] : memref<64x16384xf32, #tpu.memory_space<vmem>>, vector<64x16384xf32>
    %slice3A = vector.extract_strided_slice %get3A_1 {offsets = [0, 0], sizes = [64, 4096], strides = [1, 1]} : vector<64x16384xf32> to vector<64x4096xf32>
    %transpose3A = tpu.transpose %slice3A, [1, 0] : vector<64x4096xf32> -> vector<4096x64xf32>
    %slice3A_2 = vector.extract_strided_slice %get3A_1 {offsets = [0, 4096], sizes = [64, 4096], strides = [1, 1]} : vector<64x16384xf32> to vector<64x4096xf32>
    %transpose3A_3 = tpu.transpose %slice3A_2, [1, 0] : vector<64x4096xf32> -> vector<4096x64xf32>
    %slice3A_4 = vector.extract_strided_slice %get3A_1 {offsets = [0, 8192], sizes = [64, 4096], strides = [1, 1]} : vector<64x16384xf32> to vector<64x4096xf32>
    %transpose3A_5 = tpu.transpose %slice3A_4, [1, 0] : vector<64x4096xf32> -> vector<4096x64xf32>
    %slice3A_6 = vector.extract_strided_slice %get3A_1 {offsets = [0, 12288], sizes = [64, 4096], strides = [1, 1]} : vector<64x16384xf32> to vector<64x4096xf32>
    %transpose3A_7 = tpu.transpose %slice3A_6, [1, 0] : vector<64x4096xf32> -> vector<4096x64xf32>
    %convert_element_type3A = arith.truncf %transpose3A : vector<4096x64xf32> to vector<4096x64xbf16>
    %bitcast_convert_type3A = tpu.bitcast %convert_element_type3A : vector<4096x64xbf16> -> vector<4096x64xi16>
    %convert_element_type3A_8 = arith.truncf %transpose3A_3 : vector<4096x64xf32> to vector<4096x64xbf16>
    %bitcast_convert_type3A_9 = tpu.bitcast %convert_element_type3A_8 : vector<4096x64xbf16> -> vector<4096x64xi16>
    %convert_element_type3A_10 = arith.extui %bitcast_convert_type3A : vector<4096x64xi16> to vector<4096x64xi32>
    %convert_element_type3A_11 = arith.extui %bitcast_convert_type3A_9 : vector<4096x64xi16> to vector<4096x64xi32>
    %shift_left3A = arith.constant 16 : i32
    %shift_left3A_12 = vector.broadcast %shift_left3A : i32 to vector<4096x64xi32>
    %shift_left3A_13 = arith.shli %convert_element_type3A_11, %shift_left3A_12 : vector<4096x64xi32>
    %or3A = arith.ori %convert_element_type3A_10, %shift_left3A_13 : vector<4096x64xi32>
    %bitcast_convert_type3A_14 = tpu.bitcast %or3A : vector<4096x64xi32> -> vector<4096x64xf32>
    %convert_element_type3A_15 = arith.truncf %transpose3A_5 : vector<4096x64xf32> to vector<4096x64xbf16>
    %bitcast_convert_type3A_16 = tpu.bitcast %convert_element_type3A_15 : vector<4096x64xbf16> -> vector<4096x64xi16>
    %convert_element_type3A_17 = arith.truncf %transpose3A_7 : vector<4096x64xf32> to vector<4096x64xbf16>
    %bitcast_convert_type3A_18 = tpu.bitcast %convert_element_type3A_17 : vector<4096x64xbf16> -> vector<4096x64xi16>
    %convert_element_type3A_19 = arith.extui %bitcast_convert_type3A_16 : vector<4096x64xi16> to vector<4096x64xi32>
    %convert_element_type3A_20 = arith.extui %bitcast_convert_type3A_18 : vector<4096x64xi16> to vector<4096x64xi32>
    %shift_left3A_21 = arith.constant 16 : i32
    %shift_left3A_22 = vector.broadcast %shift_left3A_21 : i32 to vector<4096x64xi32>
    %shift_left3A_23 = arith.shli %convert_element_type3A_20, %shift_left3A_22 : vector<4096x64xi32>
    %or3A_24 = arith.ori %convert_element_type3A_19, %shift_left3A_23 : vector<4096x64xi32>
    %bitcast_convert_type3A_25 = tpu.bitcast %or3A_24 : vector<4096x64xi32> -> vector<4096x64xf32>
    %concatenate3A = tpu.concatenate %bitcast_convert_type3A_14, %bitcast_convert_type3A_25 in 1 : vector<4096x64xf32>, vector<4096x64xf32> -> vector<4096x128xf32>
    %swap3A = arith.constant 0 : index
    %swap3A_26 = arith.constant 0 : index
    %swap3A_27 = vector.load %arg2[%swap3A, %swap3A_26] : memref<4096x128xf32, #tpu.memory_space<vmem>>, vector<4096x128xf32>
    tpu.vector_store %arg2[%swap3A, %swap3A_26], %concatenate3A {strides = array<i32>} : memref<4096x128xf32, #tpu.memory_space<vmem>>, vector<4096x128xf32>,
    return
  }
  func.func @transform_0(%arg0: i32) -> (i32, i32) {
    %c0_i32 = arith.constant 0 : i32
    %c0_i32_0 = arith.constant 0 : i32
    return %c0_i32, %arg0 : i32, i32
  }
  func.func @transform_1(%arg0: i32) -> (i32, i32) {
    %c0_i32 = arith.constant 0 : i32
    %c0_i32_0 = arith.constant 0 : i32
    return %arg0, %c0_i32 : i32, i32
  }
}

module attributes {stable_mosaic.version = 14 : i64} {
  func.func @_tp_body(%arg0: i32, %arg1: memref<64x16384xf32, #tpu.memory_space<vmem>>, %arg2: memref<4096x128xf32, #tpu.memory_space<vmem>>) attributes {dimension_semantics = [#tpu.dimension_semantics<arbitrary>], iteration_bounds = array<i64: 62>, scalar_prefetch = 0 : i64, scratch_operands = 0 : i64, tpu.core_type = #tpu.core_type<tc>, window_params = [{transform_indices = @transform_0, window_bounds = array<i64: 64, 16384>}, {transform_indices = @transform_1, window_bounds = array<i64: 4096, 128>}]} {
    %get3A = arith.constant 0 : index
    %get3A_0 = arith.constant 0 : index
    %get3A_1 = vector.load %arg1[%get3A, %get3A_0] : memref<64x16384xf32, #tpu.memory_space<vmem>>, vector<64x16384xf32>
    %slice3A = vector.extract_strided_slice %get3A_1 {offsets = [0, 0], sizes = [64, 4096], strides = [1, 1]} : vector<64x16384xf32> to vector<64x4096xf32>
    %transpose3A = tpu.transpose %slice3A, [1, 0] : vector<64x4096xf32> -> vector<4096x64xf32>
    %slice3A_2 = vector.extract_strided_slice %get3A_1 {offsets = [0, 4096], sizes = [64, 4096], strides = [1, 1]} : vector<64x16384xf32> to vector<64x4096xf32>
    %transpose3A_3 = tpu.transpose %slice3A_2, [1, 0] : vector<64x4096xf32> -> vector<4096x64xf32>
    %slice3A_4 = vector.extract_strided_slice %get3A_1 {offsets = [0, 8192], sizes = [64, 4096], strides = [1, 1]} : vector<64x16384xf32> to vector<64x4096xf32>
    %transpose3A_5 = tpu.transpose %slice3A_4, [1, 0] : vector<64x4096xf32> -> vector<4096x64xf32>
    %slice3A_6 = vector.extract_strided_slice %get3A_1 {offsets = [0, 12288], sizes = [64, 4096], strides = [1, 1]} : vector<64x16384xf32> to vector<64x4096xf32>
    %transpose3A_7 = tpu.transpose %slice3A_6, [1, 0] : vector<64x4096xf32> -> vector<4096x64xf32>
    %convert_element_type3A = arith.truncf %transpose3A : vector<4096x64xf32> to vector<4096x64xbf16>
    %bitcast_convert_type3A = tpu.bitcast %convert_element_type3A : vector<4096x64xbf16> -> vector<4096x64xi16>
    %convert_element_type3A_8 = arith.truncf %transpose3A_3 : vector<4096x64xf32> to vector<4096x64xbf16>
    %bitcast_convert_type3A_9 = tpu.bitcast %convert_element_type3A_8 : vector<4096x64xbf16> -> vector<4096x64xi16>
    %convert_element_type3A_10 = arith.extui %bitcast_convert_type3A : vector<4096x64xi16> to vector<4096x64xi32>
    %convert_element_type3A_11 = arith.extui %bitcast_convert_type3A_9 : vector<4096x64xi16> to vector<4096x64xi32>
    %shift_left3A = arith.constant 16 : i32
    %shift_left3A_12 = vector.broadcast %shift_left3A : i32 to vector<4096x64xi32>
    %shift_left3A_13 = arith.shli %convert_element_type3A_11, %shift_left3A_12 : vector<4096x64xi32>
    %or3A = arith.ori %convert_element_type3A_10, %shift_left3A_13 : vector<4096x64xi32>
    %bitcast_convert_type3A_14 = tpu.bitcast %or3A : vector<4096x64xi32> -> vector<4096x64xf32>
    %convert_element_type3A_15 = arith.truncf %transpose3A_5 : vector<4096x64xf32> to vector<4096x64xbf16>
    %bitcast_convert_type3A_16 = tpu.bitcast %convert_element_type3A_15 : vector<4096x64xbf16> -> vector<4096x64xi16>
    %convert_element_type3A_17 = arith.truncf %transpose3A_7 : vector<4096x64xf32> to vector<4096x64xbf16>
    %bitcast_convert_type3A_18 = tpu.bitcast %convert_element_type3A_17 : vector<4096x64xbf16> -> vector<4096x64xi16>
    %convert_element_type3A_19 = arith.extui %bitcast_convert_type3A_16 : vector<4096x64xi16> to vector<4096x64xi32>
    %convert_element_type3A_20 = arith.extui %bitcast_convert_type3A_18 : vector<4096x64xi16> to vector<4096x64xi32>
    %shift_left3A_21 = arith.constant 16 : i32
    %shift_left3A_22 = vector.broadcast %shift_left3A_21 : i32 to vector<4096x64xi32>
    %shift_left3A_23 = arith.shli %convert_element_type3A_20, %shift_left3A_22 : vector<4096x64xi32>
    %or3A_24 = arith.ori %convert_element_type3A_19, %shift_left3A_23 : vector<4096x64xi32>
    %bitcast_convert_type3A_25 = tpu.bitcast %or3A_24 : vector<4096x64xi32> -> vector<4096x64xf32>
    %concatenate3A = tpu.concatenate %bitcast_convert_type3A_14, %bitcast_convert_type3A_25 in 1 : vector<4096x64xf32>, vector<4096x64xf32> -> vector<4096x128xf32>
    %swap3A = arith.constant 0 : index
    %swap3A_26 = arith.constant 0 : index
    %swap3A_27 = vector.load %arg2[%swap3A, %swap3A_26] : memref<4096x128xf32, #tpu.memory_space<vmem>>, vector<4096x128xf32>
    tpu.vector_store %arg2[%swap3A, %swap3A_26], %concatenate3A {strides = array<i32>} : memref<4096x128xf32, #tpu.memory_space<vmem>>, vector<4096x128xf32>,
    return
  }
  func.func @transform_0(%arg0: i32) -> (i32, i32) {
    %c0_i32 = arith.constant 0 : i32
    %c0_i32_0 = arith.constant 0 : i32
    return %c0_i32, %arg0 : i32, i32
  }
  func.func @transform_1(%arg0: i32) -> (i32, i32) {
    %c0_i32 = arith.constant 0 : i32
    %c0_i32_0 = arith.constant 0 : i32
    return %arg0, %c0_i32 : i32, i32
  }
}

module attributes {stable_mosaic.version = 14 : i64} {
  func.func @_head_body(%arg0: i32, %arg1: memref<2048x128xf32, #tpu.memory_space<vmem>>, %arg2: memref<2048x128xf32, #tpu.memory_space<vmem>>, %arg3: memref<2048x1xi32, #tpu.memory_space<vmem>>, %arg4: memref<2048x1xi32, #tpu.memory_space<vmem>>, %arg5: memref<64x128xf32, #tpu.memory_space<vmem>>, %arg6: memref<1x128xf32, #tpu.memory_space<vmem>>, %arg7: memref<1x128xf32, #tpu.memory_space<vmem>>, %arg8: memref<1x1xf32, #tpu.memory_space<vmem>>, %arg9: memref<2048xf32, #tpu.memory_space<vmem>>) attributes {dimension_semantics = [#tpu.dimension_semantics<arbitrary>], iteration_bounds = array<i64: 8>, scalar_prefetch = 0 : i64, scratch_operands = 0 : i64, tpu.core_type = #tpu.core_type<tc>, window_params = [{transform_indices = @transform_0, window_bounds = array<i64: 2048, 128>}, {transform_indices = @transform_1, window_bounds = array<i64: 2048, 128>}, {transform_indices = @transform_2, window_bounds = array<i64: 2048, 1>}, {transform_indices = @transform_3, window_bounds = array<i64: 2048, 1>}, {pipeline_mode = #tpu.pipeline_mode<synchronous>, transform_indices = @transform_4, window_bounds = array<i64: 64, 128>}, {pipeline_mode = #tpu.pipeline_mode<synchronous>, transform_indices = @transform_5, window_bounds = array<i64: 1, 128>}, {pipeline_mode = #tpu.pipeline_mode<synchronous>, transform_indices = @transform_6, window_bounds = array<i64: 1, 128>}, {pipeline_mode = #tpu.pipeline_mode<synchronous>, transform_indices = @transform_7, window_bounds = array<i64: 1, 1>}, {transform_indices = @transform_8, window_bounds = array<i64: 2048>}]} {
    %get3A = arith.constant 0 : index
    %get3A_0 = arith.constant 0 : index
    %get3A_1 = vector.load %arg1[%get3A, %get3A_0] : memref<2048x128xf32, #tpu.memory_space<vmem>>, vector<2048x128xf32>
    %get3A_2 = arith.constant 0 : index
    %get3A_3 = arith.constant 0 : index
    %get3A_4 = vector.load %arg2[%get3A_2, %get3A_3] : memref<2048x128xf32, #tpu.memory_space<vmem>>, vector<2048x128xf32>
    %get3A_5 = arith.constant 0 : index
    %get3A_6 = arith.constant 0 : index
    %get3A_7 = vector.load %arg3[%get3A_5, %get3A_6] : memref<2048x1xi32, #tpu.memory_space<vmem>>, vector<2048x1xi32>
    %ge3A = arith.constant 2 : i32
    %ge3A_8 = vector.broadcast %ge3A : i32 to vector<2048x1xi32>
    %ge3A_9 = arith.cmpi sge, %get3A_7, %ge3A_8 : vector<2048x1xi32>
    %slice3A = vector.extract_strided_slice %get3A_1 {offsets = [0, 64], sizes = [2048, 64], strides = [1, 1]} : vector<2048x128xf32> to vector<2048x64xf32>
    %slice3A_10 = vector.extract_strided_slice %get3A_1 {offsets = [0, 0], sizes = [2048, 64], strides = [1, 1]} : vector<2048x128xf32> to vector<2048x64xf32>
    %broadcast_in_dim3A = vector.shape_cast %ge3A_9 : vector<2048x1xi1> to vector<2048x1xi1>
    %broadcast_in_dim3A_11 = vector.broadcast %broadcast_in_dim3A : vector<2048x1xi1> to vector<2048x64xi1>
    %select_n3A = arith.select %broadcast_in_dim3A_11, %slice3A, %slice3A_10 : vector<2048x64xi1>, vector<2048x64xf32>
    %bitcast_convert_type3A = tpu.bitcast %select_n3A : vector<2048x64xf32> -> vector<2048x64xi32>
    %and3A = arith.constant 1 : i32
    %and3A_12 = vector.broadcast %and3A : i32 to vector<2048x1xi32>
    %and3A_13 = arith.andi %get3A_7, %and3A_12 : vector<2048x1xi32>
    %eq3A = arith.constant 1 : i32
    %eq3A_14 = vector.broadcast %eq3A : i32 to vector<2048x1xi32>
    %eq3A_15 = arith.cmpi eq, %and3A_13, %eq3A_14 : vector<2048x1xi32>
    %shift_right_logical3A = arith.constant 16 : i32
    %shift_right_logical3A_16 = vector.broadcast %shift_right_logical3A : i32 to vector<2048x64xi32>
    %shift_right_logical3A_17 = arith.shrui %bitcast_convert_type3A, %shift_right_logical3A_16 : vector<2048x64xi32>
    %and3A_18 = arith.constant 65535 : i32
    %and3A_19 = vector.broadcast %and3A_18 : i32 to vector<2048x64xi32>
    %and3A_20 = arith.andi %bitcast_convert_type3A, %and3A_19 : vector<2048x64xi32>
    %broadcast_in_dim3A_21 = vector.shape_cast %eq3A_15 : vector<2048x1xi1> to vector<2048x1xi1>
    %broadcast_in_dim3A_22 = vector.broadcast %broadcast_in_dim3A_21 : vector<2048x1xi1> to vector<2048x64xi1>
    %select_n3A_23 = arith.select %broadcast_in_dim3A_22, %shift_right_logical3A_17, %and3A_20 : vector<2048x64xi1>, vector<2048x64xi32>
    %convert_element_type3A = arith.trunci %select_n3A_23 : vector<2048x64xi32> to vector<2048x64xi16>
    %bitcast_convert_type3A_24 = tpu.bitcast %convert_element_type3A : vector<2048x64xi16> -> vector<2048x64xbf16>
    %convert_element_type3A_25 = arith.extf %bitcast_convert_type3A_24 : vector<2048x64xbf16> to vector<2048x64xf32>
    %get3A_26 = arith.constant 0 : index
    %get3A_27 = arith.constant 0 : index
    %get3A_28 = vector.load %arg4[%get3A_26, %get3A_27] : memref<2048x1xi32, #tpu.memory_space<vmem>>, vector<2048x1xi32>
    %ge3A_29 = arith.constant 2 : i32
    %ge3A_30 = vector.broadcast %ge3A_29 : i32 to vector<2048x1xi32>
    %ge3A_31 = arith.cmpi sge, %get3A_28, %ge3A_30 : vector<2048x1xi32>
    %slice3A_32 = vector.extract_strided_slice %get3A_4 {offsets = [0, 64], sizes = [2048, 64], strides = [1, 1]} : vector<2048x128xf32> to vector<2048x64xf32>
    %slice3A_33 = vector.extract_strided_slice %get3A_4 {offsets = [0, 0], sizes = [2048, 64], strides = [1, 1]} : vector<2048x128xf32> to vector<2048x64xf32>
    %broadcast_in_dim3A_34 = vector.shape_cast %ge3A_31 : vector<2048x1xi1> to vector<2048x1xi1>
    %broadcast_in_dim3A_35 = vector.broadcast %broadcast_in_dim3A_34 : vector<2048x1xi1> to vector<2048x64xi1>
    %select_n3A_36 = arith.select %broadcast_in_dim3A_35, %slice3A_32, %slice3A_33 : vector<2048x64xi1>, vector<2048x64xf32>
    %bitcast_convert_type3A_37 = tpu.bitcast %select_n3A_36 : vector<2048x64xf32> -> vector<2048x64xi32>
    %and3A_38 = arith.constant 1 : i32
    %and3A_39 = vector.broadcast %and3A_38 : i32 to vector<2048x1xi32>
    %and3A_40 = arith.andi %get3A_28, %and3A_39 : vector<2048x1xi32>
    %eq3A_41 = arith.constant 1 : i32
    %eq3A_42 = vector.broadcast %eq3A_41 : i32 to vector<2048x1xi32>
    %eq3A_43 = arith.cmpi eq, %and3A_40, %eq3A_42 : vector<2048x1xi32>
    %shift_right_logical3A_44 = arith.constant 16 : i32
    %shift_right_logical3A_45 = vector.broadcast %shift_right_logical3A_44 : i32 to vector<2048x64xi32>
    %shift_right_logical3A_46 = arith.shrui %bitcast_convert_type3A_37, %shift_right_logical3A_45 : vector<2048x64xi32>
    %and3A_47 = arith.constant 65535 : i32
    %and3A_48 = vector.broadcast %and3A_47 : i32 to vector<2048x64xi32>
    %and3A_49 = arith.andi %bitcast_convert_type3A_37, %and3A_48 : vector<2048x64xi32>
    %broadcast_in_dim3A_50 = vector.shape_cast %eq3A_43 : vector<2048x1xi1> to vector<2048x1xi1>
    %broadcast_in_dim3A_51 = vector.broadcast %broadcast_in_dim3A_50 : vector<2048x1xi1> to vector<2048x64xi1>
    %select_n3A_52 = arith.select %broadcast_in_dim3A_51, %shift_right_logical3A_46, %and3A_49 : vector<2048x64xi1>, vector<2048x64xi32>
    %convert_element_type3A_53 = arith.trunci %select_n3A_52 : vector<2048x64xi32> to vector<2048x64xi16>
    %bitcast_convert_type3A_54 = tpu.bitcast %convert_element_type3A_53 : vector<2048x64xi16> -> vector<2048x64xbf16>
    %convert_element_type3A_55 = arith.extf %bitcast_convert_type3A_54 : vector<2048x64xbf16> to vector<2048x64xf32>
    %mul3A = arith.mulf %convert_element_type3A_25, %convert_element_type3A_25 : vector<2048x64xf32>
    %reduce_sum3A = arith.constant dense<0.000000e+00> : vector<2048xf32>
    %reduce_sum3A_56 = vector.multi_reduction <add>, %mul3A, %reduce_sum3A [1] : vector<2048x64xf32> to vector<2048xf32>
    %broadcast_in_dim3A_57 = vector.shape_cast %reduce_sum3A_56 : vector<2048xf32> to vector<2048x1xf32>
    %sqrt3A = math.sqrt %broadcast_in_dim3A_57 : vector<2048x1xf32>
    %mul3A_58 = arith.mulf %convert_element_type3A_55, %convert_element_type3A_55 : vector<2048x64xf32>
    %reduce_sum3A_59 = arith.constant dense<0.000000e+00> : vector<2048xf32>
    %reduce_sum3A_60 = vector.multi_reduction <add>, %mul3A_58, %reduce_sum3A_59 [1] : vector<2048x64xf32> to vector<2048xf32>
    %broadcast_in_dim3A_61 = vector.shape_cast %reduce_sum3A_60 : vector<2048xf32> to vector<2048x1xf32>
    %sqrt3A_62 = math.sqrt %broadcast_in_dim3A_61 : vector<2048x1xf32>
    %gt3A = arith.constant 1.000000e+00 : f32
    %gt3A_63 = vector.broadcast %gt3A : f32 to vector<2048x1xf32>
    %gt3A_64 = arith.cmpf ogt, %sqrt3A, %gt3A_63 : vector<2048x1xf32>
    %add3A = arith.constant 1.000000e-07 : f32
    %add3A_65 = vector.broadcast %add3A : f32 to vector<2048x1xf32>
    %add3A_66 = arith.addf %sqrt3A, %add3A_65 : vector<2048x1xf32>
    %div3A = arith.constant 1.000000e+00 : f32
    %div3A_67 = vector.broadcast %div3A : f32 to vector<2048x1xf32>
    %div3A_68 = arith.divf %div3A_67, %add3A_66 : vector<2048x1xf32>
    %jit3A = arith.constant 1.000000e+00 : f32
    %broadcast_in_dim3A_69 = vector.broadcast %jit3A : f32 to vector<2048x1xf32>
    %select_n3A_70 = arith.select %gt3A_64, %div3A_68, %broadcast_in_dim3A_69 : vector<2048x1xi1>, vector<2048x1xf32>
    %gt3A_71 = arith.constant 1.000000e+00 : f32
    %gt3A_72 = vector.broadcast %gt3A_71 : f32 to vector<2048x1xf32>
    %gt3A_73 = arith.cmpf ogt, %sqrt3A_62, %gt3A_72 : vector<2048x1xf32>
    %add3A_74 = arith.constant 1.000000e-07 : f32
    %add3A_75 = vector.broadcast %add3A_74 : f32 to vector<2048x1xf32>
    %add3A_76 = arith.addf %sqrt3A_62, %add3A_75 : vector<2048x1xf32>
    %div3A_77 = arith.constant 1.000000e+00 : f32
    %div3A_78 = vector.broadcast %div3A_77 : f32 to vector<2048x1xf32>
    %div3A_79 = arith.divf %div3A_78, %add3A_76 : vector<2048x1xf32>
    %jit3A_80 = arith.constant 1.000000e+00 : f32
    %broadcast_in_dim3A_81 = vector.broadcast %jit3A_80 : f32 to vector<2048x1xf32>
    %select_n3A_82 = arith.select %gt3A_73, %div3A_79, %broadcast_in_dim3A_81 : vector<2048x1xi1>, vector<2048x1xf32>
    %mul3A_83 = vector.broadcast %select_n3A_70 : vector<2048x1xf32> to vector<2048x64xf32>
    %mul3A_84 = arith.mulf %convert_element_type3A_25, %mul3A_83 : vector<2048x64xf32>
    %mul3A_85 = vector.broadcast %select_n3A_82 : vector<2048x1xf32> to vector<2048x64xf32>
    %mul3A_86 = arith.mulf %convert_element_type3A_55, %mul3A_85 : vector<2048x64xf32>
    %mul3A_87 = arith.mulf %mul3A_84, %mul3A_86 : vector<2048x64xf32>
    %get3A_88 = arith.constant 0 : index
    %get3A_89 = arith.constant 0 : index
    %get3A_90 = vector.load %arg5[%get3A_88, %get3A_89] : memref<64x128xf32, #tpu.memory_space<vmem>>, vector<64x128xf32>
    %dot_general3A = arith.constant dense<0.000000e+00> : vector<2048x128xf32>
    %dot_general3A_91 = tpu.matmul %mul3A_87, %get3A_90, %dot_general3A {dimension_numbers = #tpu.dot_dimension_numbers<[1], [0], [0], [1], [0, 0, 1, 1], [], []>, transpose_lhs_hint = false} : vector<2048x64xf32>, vector<64x128xf32>, vector<2048x128xf32> -> vector<2048x128xf32>
    %get3A_92 = arith.constant 0 : index
    %get3A_93 = arith.constant 0 : index
    %get3A_94 = vector.load %arg6[%get3A_92, %get3A_93] : memref<1x128xf32, #tpu.memory_space<vmem>>, vector<1x128xf32>
    %add3A_95 = vector.broadcast %get3A_94 : vector<1x128xf32> to vector<2048x128xf32>
    %add3A_96 = arith.addf %dot_general3A_91, %add3A_95 : vector<2048x128xf32>
    %max3A = arith.constant 0.000000e+00 : f32
    %max3A_97 = vector.broadcast %max3A : f32 to vector<2048x128xf32>
    %max3A_98 = arith.maximumf %add3A_96, %max3A_97 : vector<2048x128xf32>
    %get3A_99 = arith.constant 0 : index
    %get3A_100 = arith.constant 0 : index
    %get3A_101 = vector.load %arg7[%get3A_99, %get3A_100] : memref<1x128xf32, #tpu.memory_space<vmem>>, vector<1x128xf32>
    %mul3A_102 = vector.broadcast %get3A_101 : vector<1x128xf32> to vector<2048x128xf32>
    %mul3A_103 = arith.mulf %max3A_98, %mul3A_102 : vector<2048x128xf32>
    %reduce_sum3A_104 = arith.constant dense<0.000000e+00> : vector<2048xf32>
    %reduce_sum3A_105 = vector.multi_reduction <add>, %mul3A_103, %reduce_sum3A_104 [1] : vector<2048x128xf32> to vector<2048xf32>
    %get3A_106 = arith.constant 0 : index
    %get3A_107 = arith.constant 0 : index
    %get3A_108 = vector.load %arg8[%get3A_106, %get3A_107] : memref<1x1xf32, #tpu.memory_space<vmem>>, vector<1x1xf32>
    %get3A_109 = vector.extract %get3A_108[0, 0] : f32 from vector<1x1xf32>
    %add3A_110 = vector.broadcast %get3A_109 : f32 to vector<2048xf32>
    %add3A_111 = arith.addf %reduce_sum3A_105, %add3A_110 : vector<2048xf32>
    %logistic3A = arith.negf %add3A_111 : vector<2048xf32>
    %logistic3A_112 = math.exp %logistic3A : vector<2048xf32>
    %logistic3A_113 = arith.constant 1.000000e+00 : f32
    %logistic3A_114 = vector.broadcast %logistic3A_113 : f32 to vector<2048xf32>
    %logistic3A_115 = arith.addf %logistic3A_114, %logistic3A_112 : vector<2048xf32>
    %logistic3A_116 = arith.divf %logistic3A_114, %logistic3A_115 : vector<2048xf32>
    %swap3A = arith.constant 0 : index
    %swap3A_117 = vector.load %arg9[%swap3A] : memref<2048xf32, #tpu.memory_space<vmem>>, vector<2048xf32>
    tpu.vector_store %arg9[%swap3A], %logistic3A_116 {strides = array<i32>} : memref<2048xf32, #tpu.memory_space<vmem>>, vector<2048xf32>,
    return
  }
  func.func @transform_0(%arg0: i32) -> (i32, i32) {
    %c0_i32 = arith.constant 0 : i32
    %c0_i32_0 = arith.constant 0 : i32
    return %arg0, %c0_i32 : i32, i32
  }
  func.func @transform_1(%arg0: i32) -> (i32, i32) {
    %c0_i32 = arith.constant 0 : i32
    %c0_i32_0 = arith.constant 0 : i32
    return %arg0, %c0_i32 : i32, i32
  }
  func.func @transform_2(%arg0: i32) -> (i32, i32) {
    %c0_i32 = arith.constant 0 : i32
    %c0_i32_0 = arith.constant 0 : i32
    return %arg0, %c0_i32 : i32, i32
  }
  func.func @transform_3(%arg0: i32) -> (i32, i32) {
    %c0_i32 = arith.constant 0 : i32
    %c0_i32_0 = arith.constant 0 : i32
    return %arg0, %c0_i32 : i32, i32
  }
  func.func @transform_4(%arg0: i32) -> (i32, i32) {
    %c0_i32 = arith.constant 0 : i32
    %c0_i32_0 = arith.constant 0 : i32
    %c0_i32_1 = arith.constant 0 : i32
    return %c0_i32, %c0_i32_0 : i32, i32
  }
  func.func @transform_5(%arg0: i32) -> (i32, i32) {
    %c0_i32 = arith.constant 0 : i32
    %c0_i32_0 = arith.constant 0 : i32
    %c0_i32_1 = arith.constant 0 : i32
    return %c0_i32, %c0_i32_0 : i32, i32
  }
  func.func @transform_6(%arg0: i32) -> (i32, i32) {
    %c0_i32 = arith.constant 0 : i32
    %c0_i32_0 = arith.constant 0 : i32
    %c0_i32_1 = arith.constant 0 : i32
    return %c0_i32, %c0_i32_0 : i32, i32
  }
  func.func @transform_7(%arg0: i32) -> (i32, i32) {
    %c0_i32 = arith.constant 0 : i32
    %c0_i32_0 = arith.constant 0 : i32
    %c0_i32_1 = arith.constant 0 : i32
    return %c0_i32, %c0_i32_0 : i32, i32
  }
  func.func @transform_8(%arg0: i32) -> i32 {
    %c0_i32 = arith.constant 0 : i32
    return %arg0 : i32
  }
}

</mosaic_0001>

<sc_bundles>
// kernel: kernel.6.cloned.1.call-start
scs
__scs_entry_jumppad:
0x0: {  	(pc) =	sbr.rel $0x88, $3  }
0x1: {  	(tag) =	ssettag $0x0;
	lr =	simm.s32 $0x1  }
0x2: {  	[smem:$0x3F99] =	sst lr;
	_ =	strace $0xD0000000  }
0x3: {  	_ = 	snop  }
0x4: {  	_ = 	snop  }
0x5: {  	_ = 	snop  }
0x6: {  	_ = 	snop  }
0x7: {  	_ = 	snop  }
__scs_overlays_trampoline_lowered:
0x8: {  	[smem:$0x3FA8] =	sst s0  }
0x9: {  	[smem:$0x3FA9] =	sst s1  }
0xa: {  	[smem:$0x3FAA] =	sst s2  }
0xb: {  	[smem:$0x3FAB] =	sst s3  }
0xc: {  	[smem:$0x3FAC] =	sst s4  }
0xd: {  	[smem:$0x3FAD] =	sst s5  }
0xe: {  	[smem:$0x3FAE] =	sst s6  }
0xf: {  	[smem:$0x3FAF] =	sst s7  }
0x10: {  	[smem:$0x3FB0] =	sst s8  }
0x11: {  	[smem:$0x3FB1] =	sst s9;
	s0 =	simm.s32 @!p0 $0x0  }
0x12: {  	s1 =	sld [smem:$0x3F97];
	s0 =	simm.s32 @p0 $0x1  }
0x13: {  	[smem:$0x3FB2] =	sst s0;
	s0 =	simm.s32 @!p1 $0x0  }
0x14: {  	s2 =	sld [smem:$0x3F96];
	s0 =	simm.s32 @p1 $0x1  }
0x15: {  	[smem:$0x3FB3] =	sst s0;
	s0 =	simm.s32 @!p2 $0x0  }
0x16: {  	s3 =	sld [smem:$0x3FDB];
	s0 =	simm.s32 @p2 $0x1  }
0x17: {  	s4 =	simm.s32 $0x1BF5;
	[smem:$0x3FB5] =	sst s0  }
0x18: {  	s0 =	sld [smem:$0x3F98];
	_ =	swait.ge [sflag:s4], $0x0  }
0x19: {  	s7 =	sld [smem:$0x3F99]  }
0x1a: {  	s8 =	sadd.s32 $0xFFFFE003, lr  }
0x1b: {  	s9 =	sadd.s32 $0xFFFFFEF7, lr;
	s5 =	simm.s32 $0xFFFFFFFF;
	p2 =	slt.u32 s8, $0xFFFFF086  }
0x1c: {  	p1 =	slt.u32 s9, $0xF7A;
	s5 =	simm.s32 @!p2 $0x0  }
0x1d: {  	s5 =	simm.s32 @p1 $0x1;
	p0 =	seq.s32 s7, s2  }
0x1e: {  	s7 =	smul.u32 @!p0 $0xF7A, s2;
	p2 =	seq.s32 @!p0 s5, $0x0  }
0x1f: {  	s9 =	smul.u32 $0xF7A, s1;
	s8 =	simm.s32 @!p0 $0x1BF5;
	p2 =	por !p2, p0  }
0x20: {  	[sflag:s8] =	ssyncset.s32 @!p0 $0xFFFFF086;
	s6 =	sadd.s32 @!p0 s3, s7;
	s7 =	simm.s32 @!p0 $0x108  }
0x21: {  	s3 =	sadd.s32 s3, s9;
	s6 =	sadd.s32 @!p0 $0x88, s6;
	s7 =	simm.s32 @p2 $0x1082  }
0x22: {  	[simem:s7], [sflag:s8] =	dma.local @!p0 [hbm:s6], $0xF7A  }
0x23: {  	s9 =	sor.u32 $0xD0000000, s2;
	s6 =	simm.s32 $0x108;
	_ =	swait.ge @!p0 [sflag:s8], $0x0  }
0x24: {  	s3 =	sadd.s32 $0x88, s3;
	s6 =	simm.s32 @!p1 $0x1082;
	[sflag:s4] =	ssyncset.s32 $0xFFFFF086  }
0x25: {  	[simem:s6], [sflag:s4] =	dma.local [hbm:s3], $0xF7A  }
0x26: {  	[smem:$0x3F99] =	sst s1;
	(tag) =	ssettag s2;
	_ =	strace s9  }
0x27: {  	s1 =	sld [smem:$0x3FA9]  }
0x28: {  	s2 =	sld [smem:$0x3FAA]  }
0x29: {  	s4 =	sld [smem:$0x3FAC]  }
0x2a: {  	p0 =	seq.s32 s5, $0x0;
	s5 =	sld [smem:$0x3FAD]  }
0x2b: {  	s6 =	sld [smem:$0x3FAE]  }
0x2c: {  	s7 =	sld [smem:$0x3FAF]  }
0x2d: {  	s3 =	simm.s32 $0x108;
	s8 =	sld [smem:$0x3FB0]  }
0x2e: {  	s3 =	simm.s32 @!p0 $0x1082;
	s9 =	sld [smem:$0x3FB1]  }
0x2f: {  	lr =	sadd.s32 s0, s3;
	s0 =	sld [smem:$0x3FA8]  }
0x30: {  	s3 =	sld [smem:$0x3FAB]  }
0x31: {  	[smem:$0x3FB4] =	sst s10  }
0x32: {  	s10 =	sld [smem:$0x3FB2];
	_ =	sdelay $0x3  }
0x33: {  	p0 =	seq.s32 s10, $0x1;
	s10 =	sld [smem:$0x3FB4];
	_ =	sdelay $0x3  }
0x34: {  	[smem:$0x3FB4] =	sst s10  }
0x35: {  	s10 =	sld [smem:$0x3FB3];
	_ =	sdelay $0x3  }
0x36: {  	p1 =	seq.s32 s10, $0x1;
	s10 =	sld [smem:$0x3FB4];
	_ =	sdelay $0x3  }
0x37: {  	[smem:$0x3FB4] =	sst s10  }
0x38: {  	s10 =	sld [smem:$0x3FB5]  }
0x39: {  	_ = 	snop;
	(pc) =	sbr.ind lr, $3  }
0x3a: {  	_ = 	snop  }
0x3b: {  	_ = 	snop  }
0x3c: {  	p2 =	seq.s32 s10, $0x1;
	s10 =	sld [smem:$0x3FB4]  }
0x3d: {  	_ =	shalt  }
0x3e: {  	_ =	shalt  }
0x3f: {  	_ =	shalt  }
0x40: {  	_ =	shalt  }
0x41: {  	_ =	shalt  }
0x42: {  	_ =	shalt  }
0x43: {  	_ =	shalt  }
0x44: {  	_ =	shalt  }
0x45: {  	_ =	shalt  }
0x46: {  	_ =	shalt  }
0x47: {  	_ =	shalt  }
0x48: {  	_ =	shalt  }
0x49: {  	_ =	shalt  }
0x4a: {  	_ =	shalt  }
0x4b: {  	_ =	shalt  }
0x4c: {  	_ =	shalt  }
0x4d: {  	_ =	shalt  }
0x4e: {  	_ =	shalt  }
0x4f: {  	_ =	shalt  }
0x50: {  	_ =	shalt  }
0x51: {  	_ =	shalt  }
0x52: {  	_ =	shalt  }
0x53: {  	_ =	shalt  }
0x54: {  	_ =	shalt  }
0x55: {  	_ =	shalt  }
0x56: {  	_ =	shalt  }
0x57: {  	_ =	shalt  }
0x58: {  	_ =	shalt  }
0x59: {  	_ =	shalt  }
0x5a: {  	_ =	shalt  }
0x5b: {  	_ =	shalt  }
0x5c: {  	_ =	shalt  }
0x5d: {  	_ =	shalt  }
0x5e: {  	_ =	shalt  }
0x5f: {  	_ =	shalt  }
0x60: {  	_ =	shalt  }
0x61: {  	_ =	shalt  }
0x62: {  	_ =	shalt  }
0x63: {  	_ =	shalt  }
0x64: {  	_ =	shalt  }
0x65: {  	_ =	shalt  }
0x66: {  	_ =	shalt  }
0x67: {  	_ =	shalt  }
0x68: {  	_ =	shalt  }
0x69: {  	_ =	shalt  }
0x6a: {  	_ =	shalt  }
0x6b: {  	_ =	shalt  }
0x6c: {  	_ =	shalt  }
0x6d: {  	_ =	shalt  }
0x6e: {  	_ =	shalt  }
0x6f: {  	_ =	shalt  }
0x70: {  	_ =	shalt  }
0x71: {  	_ =	shalt  }
0x72: {  	_ =	shalt  }
0x73: {  	_ =	shalt  }
0x74: {  	_ =	shalt  }
0x75: {  	_ =	shalt  }
0x76: {  	_ =	shalt  }
0x77: {  	_ =	shalt  }
0x78: {  	_ =	shalt  }
0x79: {  	_ =	shalt  }
0x7a: {  	_ =	shalt  }
0x7b: {  	_ =	shalt  }
0x7c: {  	_ =	shalt  }
0x7d: {  	_ =	shalt  }
0x7e: {  	_ =	shalt  }
0x7f: {  	_ =	shalt  }
0x80: {  	_ =	shalt  }
0x81: {  	_ =	shalt  }
0x82: {  	_ =	shalt  }
0x83: {  	_ =	shalt  }
0x84: {  	_ =	shalt  }
0x85: {  	_ =	shalt  }
0x86: {  	_ =	shalt  }
0x87: {  	_ =	shalt  }
.Lfunc_end0:
.L_simem_size_0:
called_computation_lowered:
.L_overlay_start_0:
0x88: {  	s2 =	sld [smem:$0x3FD9]  }
0x89: {  	s3 =	sld [smem:$0x3FFE];
	_ =	sdelay $0x1  }
0x8a: {  	s1 =	srdreg.scid  }
0x8b: {  	s0 =	sand.u32 $0x1, s1  }
0x8c: {  	s17 =	sshll.u32 s0, $0xA;
	s2 =	sadd.s32 s3, s2  }
0x8d: {  	s2 =	sadd.s32 s2, s17  }
0x8e: {  	[smem:$0x3FC0] =	sst s2  }
0x8f: {  	_ = 	snop  }
0x90: {  	s2 =	sld [smem:$0x3FD0];
	(tm) =	ssettm $0x1  }
0x91: {  	s18 =	sld [smem:$0x3FFB];
	_ =	sdelay $0x3  }
0x92: {  	_ =	strace s18  }
0x93: {  	s3 =	sld [smem:$0x3FFC];
	_ =	sdelay $0x3  }
0x94: {  	_ =	strace s3  }
0x95: {  	s3 =	sld [smem:$0x3FFD];
	_ =	sdelay $0x3  }
0x96: {  	_ =	strace s3  }
0x97: {  	_ =	strace $0x8FFFFFFF  }
0x98: {  	s19 =	sld [smem:$0x3FDB];
	_ =	sdelay $0x1  }
0x99: {  	s4 =	simm.s32 $_scs_section_size  }
0x9a: {  	s5 =	simm.s32 $_size__tile_overlayer_lowered;
	s6 =	simm.s32 $_tile_overlayer_lowered  }
0x9b: {  	s22 =	simm.s32 $0x1BFF;
	s21 =	sshll.u32 s6, $0x1;
	s3 =	sadd.s32 s4, s19  }
0x9c: {  	s7 =	simm.s32 $0x0;
	s20 =	sshll.u32 s5, $0x1;
	s5 =	sadd.s32 s21, s3  }
0x9d: {  	[timem:s7], [sflag:s22] =	dma.local [hbm:s5], s20  }
0x9e: {  	_ =	swait.ge [sflag:s22], s20  }
0x9f: {  	s4 =	ssub.s32 $0x0, s20;
	[sflag:s22] =	ssyncset.done $0x0  }
0xa0: {  	[sflag:s22] =	ssyncadd.s32 s4;
	_ =	sdelay $0x1  }
0xa1: {  	s23 =	simm.s32 $0x1B8B  }
0xa2: {  	_ =	swait.ge [sflag:s23], $0x1  }
0xa3: {  	[sflag:s23] =	ssyncset.done $0x0  }
0xa4: {  	s25 =	simm.s32 $0x1B8E;
	s24 =	sld [smem:$0x3FFE];
	[sflag:s23] =	ssyncadd.s32 $0xFFFFFFFF  }
0xa5: {  	s26 =	simm.s32 $execute0_lowered;
	[smem:$0x3FD2] =	sst s25  }
0xa6: {  	s5 =	sshll.u32 s26, $0x1;
	_ =	strace $0x80000046;
	[dreg:$0x1] =	wrdreg $0xFFFFFFFF  }
0xa7: {  	s28 =	simm.s32 $_size_execute0_lowered;
	s3 =	sadd.s32 s3, s5;
	[dreg:$0x0] =	wrdreg $0x0  }
0xa8: {  	s5 =	sshll.u32 s28, $0x1;
	[dreg:$0x2] =	wrdreg s3  }
0xa9: {  	[dreg:$0x3] =	wrdreg s5  }
0xaa: {  	[dreg:$0x4] =	wrdreg $0xC0  }
0xab: {  	_ =	task [dreg:s7], $0x5FFFF  }
0xac: {  	[dreg:$0x1] =	wrdreg $0xFFFFFFFF  }
0xad: {  	[dreg:$0x0] =	wrdreg $0x60  }
0xae: {  	[dreg:$0x2] =	wrdreg s24  }
0xaf: {  	[dreg:$0x3] =	wrdreg s2  }
0xb0: {  	[dreg:$0x4] =	wrdreg $0x9  }
0xb1: {  	_ =	task.clear_ibuf [dreg:s7], $0x5FFFF;
	_ =	strace $0x90000046  }
0xb2: {  	s29 =	simm.s32 $0x9;
	_ =	strace $0x80000048  }
0xb3: {  	_ =	swait.ge [sflag:s29], $0x1  }
0xb4: {  	[sflag:s29] =	ssyncadd.s32 $0xFFFFFFFF  }
0xb5: {  	_ =	strace $0x90000048  }
0xb6: {  	_ =	sfence  }
0xb7: {  	s30 =	sld [smem:$0x0];
	_ =	sdelay $0x2  }
0xb8: {  	s31 =	sshll.u32 s1, $0xD;
	s1 =	sshrl.u32 s1, $0x2  }
0xb9: {  	s3 =	sand.u32 $0x4000, s31;
	s1 =	sadd.s32 s1, s30  }
0xba: {  	s0 =	sor.u32 s3, s0;
	s1 =	sshll.u32 s1, $0x11  }
0xbb: {  	s0 =	sor.u32 s1, s0  }
0xbc: {  	s0 =	sadd.s32 $0x8F2B, s0  }
0xbd: {  	[sflag:s0] =	ssyncadd.remote.s32 $0x1  }
0xbe: {  	_ =	sfence.sel $0xFFFF  }
0xbf: {  	[dreg:$0x0] =	wrdreg $0xFFFFFFFF;
	(pc) =	sbr.abs _section_cstart, $3  }
0xc0: {  	[dreg:$0x1] =	wrdreg $0xFFFFFFFF  }
0xc1: {  	_ =	task.clear_ibuf [dreg:s7], $0x2FFFF;
	_ =	strace $0x9FFFFFFF  }
0xc2: {  	(tm) =	ssettm $0x7FFFFFFF  }
0xc3: {  	_ =	shalt  }
tec
execute0_lowered:
.L_overlay_start_1:
0x0: {  	(tag) =	ssettag $0x1  }
0x1: {  	s0 =	srdreg.scid  }
0x2: {  	s1 =	rddreg [dreg:$0x0];
	s2 =	stileid.u32  }
0x3: {  	s5 =	rddreg [dreg:$0x1];
	s31 =	simm.s32 $0x7;
	s30 =	simm.s32 $0x200  }
0x4: {  	s14 =	simm.s32 $0x80;
	s18 =	simm.s32 $0x400;
	s19 =	simm.s32 $0x8400  }
0x5: {  	s15 =	simm.s32 $0x1;
	s11 =	simm.s32 $0x4400;
	s29 =	simm.s32 $0x280  }
0x6: {  	s13 =	simm.s32 $0xC400;
	p0 =	por $0x0, $0x0;
	s28 =	simm.s32 $0x300  }
0x7: {  	s12 =	simm.s32 $0x4;
	s22 =	simm.s32 $0x180;
	s0 =	sand.u32 $0x1, s0  }
0x8: {  	s3 =	sshll.u32 s2, $0xA;
	s2 =	simm.s32 $0x0;
	s9 =	sadd.s32 $0x452200, s1  }
0x9: {  	s4 =	sshll.u32 s0, $0x9;
	[smem:$0x7FF] =	sst s2;
	s0 =	ssub.s32 $0x2, s0  }
0xa: {  	s6 =	sor.u32 s4, s3;
	_ =	strace $0x80000047;
	s3 =	sadd.s32 $0x1A00, s1  }
0xb: {  	s4 =	sadd.s32 $0x3E1A00, s1;
	s10 =	sshrl.u32 s0, $0x1;
	s7 =	sshrl.u32 s6, $0x3  }
0xc: {  	s6 =	sshll.u32 s6, $0x4;
	s0 =	ssub.s32 s0, s10;
	s10 =	simm.s32 $0x2  }
0xd: {  	s8 =	sadd.s32 s7, s1;
	s1 =	sadd.s32 $0x492200, s1;
	s5 =	sadd.s32 s5, s7  }
0xe: {  	s23 =	sor.u32 $0x800, s6;
	s24 =	sadd.s32 s9, s6;
	s26 =	sor.u32 $0x1000, s6  }
0xf: {  	s0 =	smax.u32 s0, $0x1;
	s7 =	simm.s32 $0x5;
	s8 =	sadd.s32 $0x451A00, s8  }
0x10: {  	[dreg:$0x4] =	wrdreg s5;
	s25 =	sadd.s32 s1, s6;
	p1 =	sne.s32 s0, $0x1  }
.Ltmp0:
0x11: {  	s20 =	sadd.s32 s9, s23;
	s21 =	sadd.s32 s1, s23;
	(pc) =	sbr.rel @!p1 .LBB2_3-.Ltmp0, $4  }
0x12: {  	s6 =	sor.u32 $0x1800, s6;
	s16 =	sadd.s32 s9, s26;
	s17 =	sadd.s32 s1, s26  }
0x13: {  	s26 =	simm.s32 $0x100;
	s23 =	simm.s32 $0x380;
	[dreg:$0x3] =	wrdreg s8  }
0x14: {  	s5 =	sadd.s32 s9, s6;
	s6 =	sadd.s32 s1, s6;
	s9 =	simm.s32 $0x3  }
0x15: {  	s1 =	sadd.s32 $0xFFFFFFFF, s0;
	s8 =	simm.s32 $0x6;
	s0 =	rddreg [dreg:$0x3]  }
0x16: {  	[tilespmem:s2], [sflag:$0x7] =	stream.linear.gather [hbm4b:s0+s2], $0x200, $0x38;
	[tilespmem:$0x10400] =	vst v63  }
0x17: {  	_ =	swait.ge [sflag:s31], $0x200  }
0x18: {  	[sflag:s31] =	ssyncset.done $0x0  }
0x19: {  	s0 =	rddreg [dreg:$0x4];
	[sflag:s31] =	ssyncadd.s32 $0xFFFFFE00  }
0x1a: {  	[tilespmem:s30], [sflag:$0x7] =	stream.linear.gather [hbm4b:s0+s2], $0x200, $0x38;
	[tilespmem:$0x10400] =	vst v63  }
0x1b: {  	_ =	swait.ge [sflag:s31], $0x200  }
0x1c: {  	[sflag:s31] =	ssyncset.done $0x0  }
0x1d: {  	[sflag:s31] =	ssyncadd.s32 $0xFFFFFE00  }
0x1e: {  	[tilespmem:s18], [sflag:$0x1] =	stream.indirect.gather [hbm4b:s3+s14], $0x80, s2, s14, $0xb8;
	[tilespmem:$0x10400] =	vst v63  }
0x1f: {  	_ = 	snop  }
0x20: {  	[tilespmem:s19], [sflag:$0x2] =	stream.indirect.gather [hbm4b:s4+s14], $0x80, s30, s14, $0xb8;
	[tilespmem:$0x10400] =	vst v63  }
0x21: {  	_ =	swait.ge [sflag:s15], $0x4000  }
0x22: {  	[sflag:s15] =	ssyncset.done $0x0  }
0x23: {  	[sflag:s15] =	ssyncadd.s32 $0xFFFFC000  }
0x24: {  	_ =	swait.ge [sflag:s10], $0x4000  }
0x25: {  	[sflag:s10] =	ssyncset.done $0x0  }
0x26: {  	[sflag:s10] =	ssyncadd.s32 $0xFFFFC000  }
0x27: {  	[hbm4b:s24+s2] =	stream.linear.scatter [tilespmem:s18], [sflag:$0x3], $0x4000, $0x38;
	[tilespmem:$0x10400] =	vst v63  }
0x28: {  	_ = 	snop  }
0x29: {  	[hbm4b:s25+s2] =	stream.linear.scatter [tilespmem:s19], [sflag:$0x5], $0x4000, $0x38;
	[tilespmem:$0x10400] =	vst v63  }
0x2a: {  	_ = 	snop  }
0x2b: {  	[tilespmem:s11], [sflag:$0x1] =	stream.indirect.gather [hbm4b:s3+s14], $0x80, s14, s14, $0xb8;
	[tilespmem:$0x10400] =	vst v63  }
0x2c: {  	_ = 	snop  }
0x2d: {  	[tilespmem:s13], [sflag:$0x2] =	stream.indirect.gather [hbm4b:s4+s14], $0x80, s29, s14, $0xb8;
	[tilespmem:$0x10400] =	vst v63  }
0x2e: {  	_ =	swait.ge [sflag:s15], $0x4000  }
0x2f: {  	[sflag:s15] =	ssyncset.done $0x0  }
0x30: {  	[sflag:s15] =	ssyncadd.s32 $0xFFFFC000  }
0x31: {  	_ =	swait.ge [sflag:s10], $0x4000  }
0x32: {  	[sflag:s10] =	ssyncset.done $0x0  }
0x33: {  	[sflag:s10] =	ssyncadd.s32 $0xFFFFC000  }
0x34: {  	[hbm4b:s20+s2] =	stream.linear.scatter [tilespmem:s11], [sflag:$0x4], $0x4000, $0x38;
	[tilespmem:$0x10400] =	vst v63  }
0x35: {  	_ = 	snop  }
0x36: {  	[hbm4b:s21+s2] =	stream.linear.scatter [tilespmem:s13], [sflag:$0x6], $0x4000, $0x38;
	[tilespmem:$0x10400] =	vst v63  }
0x37: {  	_ =	swait.ge [sflag:s9], $0x4000  }
0x38: {  	[sflag:s9] =	ssyncset.done $0x0  }
0x39: {  	[sflag:s9] =	ssyncadd.s32 $0xFFFFC000  }
0x3a: {  	_ =	swait.ge [sflag:s7], $0x4000  }
0x3b: {  	[sflag:s7] =	ssyncset.done $0x0  }
0x3c: {  	[sflag:s7] =	ssyncadd.s32 $0xFFFFC000  }
0x3d: {  	[tilespmem:s18], [sflag:$0x1] =	stream.indirect.gather [hbm4b:s3+s14], $0x80, s26, s14, $0xb8;
	[tilespmem:$0x10400] =	vst v63  }
0x3e: {  	_ = 	snop  }
0x3f: {  	[tilespmem:s19], [sflag:$0x2] =	stream.indirect.gather [hbm4b:s4+s14], $0x80, s28, s14, $0xb8;
	[tilespmem:$0x10400] =	vst v63  }
0x40: {  	_ =	swait.ge [sflag:s15], $0x4000  }
0x41: {  	[sflag:s15] =	ssyncset.done $0x0  }
0x42: {  	[sflag:s15] =	ssyncadd.s32 $0xFFFFC000  }
0x43: {  	_ =	swait.ge [sflag:s10], $0x4000  }
0x44: {  	[sflag:s10] =	ssyncset.done $0x0  }
0x45: {  	[sflag:s10] =	ssyncadd.s32 $0xFFFFC000  }
0x46: {  	[hbm4b:s16+s2] =	stream.linear.scatter [tilespmem:s18], [sflag:$0x3], $0x4000, $0x38;
	[tilespmem:$0x10400] =	vst v63  }
0x47: {  	_ = 	snop  }
0x48: {  	[hbm4b:s17+s2] =	stream.linear.scatter [tilespmem:s19], [sflag:$0x5], $0x4000, $0x38;
	[tilespmem:$0x10400] =	vst v63  }
0x49: {  	_ =	swait.ge [sflag:s12], $0x4000  }
0x4a: {  	[sflag:s12] =	ssyncset.done $0x0  }
0x4b: {  	[sflag:s12] =	ssyncadd.s32 $0xFFFFC000  }
0x4c: {  	_ =	swait.ge [sflag:s8], $0x4000  }
0x4d: {  	[sflag:s8] =	ssyncset.done $0x0  }
0x4e: {  	[sflag:s8] =	ssyncadd.s32 $0xFFFFC000  }
0x4f: {  	[tilespmem:s11], [sflag:$0x1] =	stream.indirect.gather [hbm4b:s3+s14], $0x80, s22, s14, $0xb8;
	[tilespmem:$0x10400] =	vst v63  }
0x50: {  	_ = 	snop  }
0x51: {  	[tilespmem:s13], [sflag:$0x2] =	stream.indirect.gather [hbm4b:s4+s14], $0x80, s23, s14, $0xb8;
	[tilespmem:$0x10400] =	vst v63  }
0x52: {  	_ =	swait.ge [sflag:s15], $0x4000  }
0x53: {  	[sflag:s15] =	ssyncset.done $0x0  }
0x54: {  	[sflag:s15] =	ssyncadd.s32 $0xFFFFC000  }
0x55: {  	_ =	swait.ge [sflag:s10], $0x4000  }
0x56: {  	[sflag:s10] =	ssyncset.done $0x0  }
0x57: {  	[sflag:s10] =	ssyncadd.s32 $0xFFFFC000  }
0x58: {  	[hbm4b:s5+s2] =	stream.linear.scatter [tilespmem:s11], [sflag:$0x4], $0x4000, $0x38;
	[tilespmem:$0x10400] =	vst v63  }
0x59: {  	_ = 	snop  }
0x5a: {  	[hbm4b:s6+s2] =	stream.linear.scatter [tilespmem:s13], [sflag:$0x6], $0x4000, $0x38;
	[tilespmem:$0x10400] =	vst v63  }
0x5b: {  	_ =	swait.ge [sflag:s9], $0x4000  }
0x5c: {  	[sflag:s9] =	ssyncset.done $0x0  }
0x5d: {  	[sflag:s9] =	ssyncadd.s32 $0xFFFFC000  }
0x5e: {  	_ =	swait.ge [sflag:s7], $0x4000  }
0x5f: {  	[sflag:s7] =	ssyncset.done $0x0  }
0x60: {  	p1 =	sne.s32 s1, $0x1;
	[sflag:s7] =	ssyncadd.s32 $0xFFFFC000  }
.Ltmp1:
0x61: {  	_ =	swait.ge [sflag:s12], $0x4000;
	(pc) =	sbr.rel @!p1 .LBB2_3-.Ltmp1, $4  }
0x62: {  	[sflag:s12] =	ssyncset.done $0x0  }
0x63: {  	[sflag:s12] =	ssyncadd.s32 $0xFFFFC000  }
0x64: {  	s1 =	sadd.s32 $0xFFFFFFFF, s1;
	_ =	swait.ge [sflag:s8], $0x4000  }
0x65: {  	p0 =	por $0x1, $0x1;
	s0 =	rddreg [dreg:$0x3];
	[sflag:s8] =	ssyncset.done $0x0  }
.LBB2_2:
0x66: {  	[sflag:s8] =	ssyncadd.s32 $0xFFFFC000  }
0x67: {  	[tilespmem:s2], [sflag:$0x7] =	stream.linear.gather [hbm4b:s0+s2], $0x200, $0x38;
	[tilespmem:$0x10400] =	vst v63  }
0x68: {  	_ =	swait.ge [sflag:s31], $0x200  }
0x69: {  	[sflag:s31] =	ssyncset.done $0x0  }
0x6a: {  	s0 =	rddreg [dreg:$0x4];
	[sflag:s31] =	ssyncadd.s32 $0xFFFFFE00  }
0x6b: {  	[tilespmem:s30], [sflag:$0x7] =	stream.linear.gather [hbm4b:s0+s2], $0x200, $0x38;
	[tilespmem:$0x10400] =	vst v63  }
0x6c: {  	_ =	swait.ge [sflag:s31], $0x200  }
0x6d: {  	[sflag:s31] =	ssyncset.done $0x0  }
0x6e: {  	[sflag:s31] =	ssyncadd.s32 $0xFFFFFE00  }
0x6f: {  	[tilespmem:s18], [sflag:$0x1] =	stream.indirect.gather [hbm4b:s3+s14], $0x80, s2, s14, $0xb8;
	[tilespmem:$0x10400] =	vst v63  }
0x70: {  	_ = 	snop  }
0x71: {  	[tilespmem:s19], [sflag:$0x2] =	stream.indirect.gather [hbm4b:s4+s14], $0x80, s30, s14, $0xb8;
	[tilespmem:$0x10400] =	vst v63  }
0x72: {  	_ =	swait.ge [sflag:s15], $0x4000  }
0x73: {  	[sflag:s15] =	ssyncset.done $0x0  }
0x74: {  	[sflag:s15] =	ssyncadd.s32 $0xFFFFC000  }
0x75: {  	_ =	swait.ge [sflag:s10], $0x4000  }
0x76: {  	[sflag:s10] =	ssyncset.done $0x0  }
0x77: {  	[sflag:s10] =	ssyncadd.s32 $0xFFFFC000  }
0x78: {  	[hbm4b:s24+s2] =	stream.linear.scatter [tilespmem:s18], [sflag:$0x3], $0x4000, $0x38;
	[tilespmem:$0x10400] =	vst v63  }
0x79: {  	_ = 	snop  }
0x7a: {  	[hbm4b:s25+s2] =	stream.linear.scatter [tilespmem:s19], [sflag:$0x5], $0x4000, $0x38;
	[tilespmem:$0x10400] =	vst v63  }
0x7b: {  	_ = 	snop  }
0x7c: {  	[tilespmem:s11], [sflag:$0x1] =	stream.indirect.gather [hbm4b:s3+s14], $0x80, s14, s14, $0xb8;
	[tilespmem:$0x10400] =	vst v63  }
0x7d: {  	_ = 	snop  }
0x7e: {  	[tilespmem:s13], [sflag:$0x2] =	stream.indirect.gather [hbm4b:s4+s14], $0x80, s29, s14, $0xb8;
	[tilespmem:$0x10400] =	vst v63  }
0x7f: {  	_ =	swait.ge [sflag:s15], $0x4000  }
0x80: {  	[sflag:s15] =	ssyncset.done $0x0  }
0x81: {  	[sflag:s15] =	ssyncadd.s32 $0xFFFFC000  }
0x82: {  	_ =	swait.ge [sflag:s10], $0x4000  }
0x83: {  	[sflag:s10] =	ssyncset.done $0x0  }
0x84: {  	[sflag:s10] =	ssyncadd.s32 $0xFFFFC000  }
0x85: {  	[hbm4b:s20+s2] =	stream.linear.scatter [tilespmem:s11], [sflag:$0x4], $0x4000, $0x38;
	[tilespmem:$0x10400] =	vst v63  }
0x86: {  	_ = 	snop  }
0x87: {  	[hbm4b:s21+s2] =	stream.linear.scatter [tilespmem:s13], [sflag:$0x6], $0x4000, $0x38;
	[tilespmem:$0x10400] =	vst v63  }
0x88: {  	_ =	swait.ge [sflag:s9], $0x4000  }
0x89: {  	[sflag:s9] =	ssyncset.done $0x0  }
0x8a: {  	[sflag:s9] =	ssyncadd.s32 $0xFFFFC000  }
0x8b: {  	_ =	swait.ge [sflag:s7], $0x4000  }
0x8c: {  	[sflag:s7] =	ssyncset.done $0x0  }
0x8d: {  	[sflag:s7] =	ssyncadd.s32 $0xFFFFC000  }
0x8e: {  	[tilespmem:s18], [sflag:$0x1] =	stream.indirect.gather [hbm4b:s3+s14], $0x80, s26, s14, $0xb8;
	[tilespmem:$0x10400] =	vst v63  }
0x8f: {  	_ = 	snop  }
0x90: {  	[tilespmem:s19], [sflag:$0x2] =	stream.indirect.gather [hbm4b:s4+s14], $0x80, s28, s14, $0xb8;
	[tilespmem:$0x10400] =	vst v63  }
0x91: {  	_ =	swait.ge [sflag:s15], $0x4000  }
0x92: {  	[sflag:s15] =	ssyncset.done $0x0  }
0x93: {  	[sflag:s15] =	ssyncadd.s32 $0xFFFFC000  }
0x94: {  	_ =	swait.ge [sflag:s10], $0x4000  }
0x95: {  	[sflag:s10] =	ssyncset.done $0x0  }
0x96: {  	[sflag:s10] =	ssyncadd.s32 $0xFFFFC000  }
0x97: {  	[hbm4b:s16+s2] =	stream.linear.scatter [tilespmem:s18], [sflag:$0x3], $0x4000, $0x38;
	[tilespmem:$0x10400] =	vst v63  }
0x98: {  	_ = 	snop  }
0x99: {  	[hbm4b:s17+s2] =	stream.linear.scatter [tilespmem:s19], [sflag:$0x5], $0x4000, $0x38;
	[tilespmem:$0x10400] =	vst v63  }
0x9a: {  	_ =	swait.ge [sflag:s12], $0x4000  }
0x9b: {  	[sflag:s12] =	ssyncset.done $0x0  }
0x9c: {  	[sflag:s12] =	ssyncadd.s32 $0xFFFFC000  }
0x9d: {  	_ =	swait.ge [sflag:s8], $0x4000  }
0x9e: {  	[sflag:s8] =	ssyncset.done $0x0  }
0x9f: {  	[sflag:s8] =	ssyncadd.s32 $0xFFFFC000  }
0xa0: {  	[tilespmem:s11], [sflag:$0x1] =	stream.indirect.gather [hbm4b:s3+s14], $0x80, s22, s14, $0xb8;
	[tilespmem:$0x10400] =	vst v63  }
0xa1: {  	_ = 	snop  }
0xa2: {  	[tilespmem:s13], [sflag:$0x2] =	stream.indirect.gather [hbm4b:s4+s14], $0x80, s23, s14, $0xb8;
	[tilespmem:$0x10400] =	vst v63  }
0xa3: {  	_ =	swait.ge [sflag:s15], $0x4000  }
0xa4: {  	[sflag:s15] =	ssyncset.done $0x0  }
0xa5: {  	[sflag:s15] =	ssyncadd.s32 $0xFFFFC000  }
0xa6: {  	_ =	swait.ge [sflag:s10], $0x4000  }
0xa7: {  	[sflag:s10] =	ssyncset.done $0x0  }
0xa8: {  	[sflag:s10] =	ssyncadd.s32 $0xFFFFC000  }
0xa9: {  	[hbm4b:s5+s2] =	stream.linear.scatter [tilespmem:s11], [sflag:$0x4], $0x4000, $0x38;
	[tilespmem:$0x10400] =	vst v63  }
0xaa: {  	_ = 	snop  }
0xab: {  	[hbm4b:s6+s2] =	stream.linear.scatter [tilespmem:s13], [sflag:$0x6], $0x4000, $0x38;
	[tilespmem:$0x10400] =	vst v63  }
0xac: {  	_ =	swait.ge [sflag:s9], $0x4000  }
0xad: {  	[sflag:s9] =	ssyncset.done $0x0  }
0xae: {  	[sflag:s9] =	ssyncadd.s32 $0xFFFFC000  }
0xaf: {  	_ =	swait.ge [sflag:s7], $0x4000  }
0xb0: {  	[sflag:s7] =	ssyncset.done $0x0  }
0xb1: {  	p1 =	sne.s32 s1, $0x1;
	[sflag:s7] =	ssyncadd.s32 $0xFFFFC000  }
.Ltmp2:
0xb2: {  	_ =	swait.ge [sflag:s12], $0x4000;
	(pc) =	sbr.rel @p1 .LBB2_2-.Ltmp2, $4  }
0xb3: {  	[sflag:s12] =	ssyncset.done $0x0  }
0xb4: {  	[sflag:s12] =	ssyncadd.s32 $0xFFFFC000  }
0xb5: {  	_ =	swait.ge [sflag:s8], $0x4000  }
0xb6: {  	s1 =	sadd.s32 $0xFFFFFFFF, s1;
	s0 =	rddreg [dreg:$0x3];
	[sflag:s8] =	ssyncset.done $0x0  }
.LBB2_3:
0xb7: {  	[sflag:s8] =	ssyncadd.s32 @p0 $0xFFFFC000  }
0xb8: {  	[tilespmem:s2], [sflag:$0x7] =	stream.linear.gather [hbm4b:s0+s2], $0x200, $0x38;
	[tilespmem:$0x10400] =	vst v63  }
0xb9: {  	_ =	swait.ge [sflag:s31], $0x200  }
0xba: {  	[sflag:s31] =	ssyncset.done $0x0  }
0xbb: {  	s1 =	rddreg [dreg:$0x4];
	[sflag:s31] =	ssyncadd.s32 $0xFFFFFE00  }
0xbc: {  	[tilespmem:s30], [sflag:$0x7] =	stream.linear.gather [hbm4b:s1+s2], $0x200, $0x38;
	[tilespmem:$0x10400] =	vst v63  }
0xbd: {  	_ =	swait.ge [sflag:s31], $0x200  }
0xbe: {  	[sflag:s31] =	ssyncset.done $0x0  }
0xbf: {  	[sflag:s31] =	ssyncadd.s32 $0xFFFFFE00  }
0xc0: {  	[tilespmem:s18], [sflag:$0x1] =	stream.indirect.gather [hbm4b:s3+s14], $0x80, s2, s14, $0xb8;
	[tilespmem:$0x10400] =	vst v63  }
0xc1: {  	_ = 	snop  }
0xc2: {  	[tilespmem:s19], [sflag:$0x2] =	stream.indirect.gather [hbm4b:s4+s14], $0x80, s30, s14, $0xb8;
	[tilespmem:$0x10400] =	vst v63  }
0xc3: {  	_ =	swait.ge [sflag:s15], $0x4000  }
0xc4: {  	[sflag:s15] =	ssyncset.done $0x0  }
0xc5: {  	[sflag:s15] =	ssyncadd.s32 $0xFFFFC000  }
0xc6: {  	_ =	swait.ge [sflag:s10], $0x4000  }
0xc7: {  	[sflag:s10] =	ssyncset.done $0x0  }
0xc8: {  	[sflag:s10] =	ssyncadd.s32 $0xFFFFC000  }
0xc9: {  	[hbm4b:s24+s2] =	stream.linear.scatter [tilespmem:s18], [sflag:$0x3], $0x4000, $0x38;
	[tilespmem:$0x10400] =	vst v63  }
0xca: {  	_ = 	snop  }
0xcb: {  	[hbm4b:s25+s2] =	stream.linear.scatter [tilespmem:s19], [sflag:$0x5], $0x4000, $0x38;
	[tilespmem:$0x10400] =	vst v63  }
0xcc: {  	_ = 	snop  }
0xcd: {  	[tilespmem:s11], [sflag:$0x1] =	stream.indirect.gather [hbm4b:s3+s14], $0x80, s14, s14, $0xb8;
	[tilespmem:$0x10400] =	vst v63  }
0xce: {  	_ = 	snop  }
0xcf: {  	[tilespmem:s13], [sflag:$0x2] =	stream.indirect.gather [hbm4b:s4+s14], $0x80, s29, s14, $0xb8;
	[tilespmem:$0x10400] =	vst v63  }
0xd0: {  	_ =	swait.ge [sflag:s15], $0x4000  }
0xd1: {  	[sflag:s15] =	ssyncset.done $0x0  }
0xd2: {  	[sflag:s15] =	ssyncadd.s32 $0xFFFFC000  }
0xd3: {  	_ =	swait.ge [sflag:s10], $0x4000  }
0xd4: {  	[sflag:s10] =	ssyncset.done $0x0  }
0xd5: {  	[sflag:s10] =	ssyncadd.s32 $0xFFFFC000  }
0xd6: {  	[hbm4b:s20+s2] =	stream.linear.scatter [tilespmem:s11], [sflag:$0x4], $0x4000, $0x38;
	[tilespmem:$0x10400] =	vst v63  }
0xd7: {  	_ = 	snop  }
0xd8: {  	[hbm4b:s21+s2] =	stream.linear.scatter [tilespmem:s13], [sflag:$0x6], $0x4000, $0x38;
	[tilespmem:$0x10400] =	vst v63  }
0xd9: {  	_ =	swait.ge [sflag:s9], $0x4000  }
0xda: {  	[sflag:s9] =	ssyncset.done $0x0  }
0xdb: {  	[sflag:s9] =	ssyncadd.s32 $0xFFFFC000  }
0xdc: {  	_ =	swait.ge [sflag:s7], $0x4000  }
0xdd: {  	[sflag:s7] =	ssyncset.done $0x0  }
0xde: {  	[sflag:s7] =	ssyncadd.s32 $0xFFFFC000  }
0xdf: {  	[tilespmem:s18], [sflag:$0x1] =	stream.indirect.gather [hbm4b:s3+s14], $0x80, s26, s14, $0xb8;
	[tilespmem:$0x10400] =	vst v63  }
0xe0: {  	_ = 	snop  }
0xe1: {  	[tilespmem:s19], [sflag:$0x2] =	stream.indirect.gather [hbm4b:s4+s14], $0x80, s28, s14, $0xb8;
	[tilespmem:$0x10400] =	vst v63  }
0xe2: {  	_ =	swait.ge [sflag:s15], $0x4000  }
0xe3: {  	[sflag:s15] =	ssyncset.done $0x0  }
0xe4: {  	[sflag:s15] =	ssyncadd.s32 $0xFFFFC000  }
0xe5: {  	_ =	swait.ge [sflag:s10], $0x4000  }
0xe6: {  	[sflag:s10] =	ssyncset.done $0x0  }
0xe7: {  	[sflag:s10] =	ssyncadd.s32 $0xFFFFC000  }
0xe8: {  	[hbm4b:s16+s2] =	stream.linear.scatter [tilespmem:s18], [sflag:$0x3], $0x4000, $0x38;
	[tilespmem:$0x10400] =	vst v63  }
0xe9: {  	_ = 	snop  }
0xea: {  	[hbm4b:s17+s2] =	stream.linear.scatter [tilespmem:s19], [sflag:$0x5], $0x4000, $0x38;
	[tilespmem:$0x10400] =	vst v63  }
0xeb: {  	_ =	swait.ge [sflag:s12], $0x4000  }
0xec: {  	[sflag:s12] =	ssyncset.done $0x0  }
0xed: {  	[sflag:s12] =	ssyncadd.s32 $0xFFFFC000  }
0xee: {  	_ =	swait.ge [sflag:s8], $0x4000  }
0xef: {  	[sflag:s8] =	ssyncset.done $0x0  }
0xf0: {  	[sflag:s8] =	ssyncadd.s32 $0xFFFFC000  }
0xf1: {  	[tilespmem:s11], [sflag:$0x1] =	stream.indirect.gather [hbm4b:s3+s14], $0x80, s22, s14, $0xb8;
	[tilespmem:$0x10400] =	vst v63  }
0xf2: {  	_ = 	snop  }
0xf3: {  	[tilespmem:s13], [sflag:$0x2] =	stream.indirect.gather [hbm4b:s4+s14], $0x80, s23, s14, $0xb8;
	[tilespmem:$0x10400] =	vst v63  }
0xf4: {  	_ =	swait.ge [sflag:s15], $0x4000  }
0xf5: {  	[sflag:s15] =	ssyncset.done $0x0  }
0xf6: {  	[sflag:s15] =	ssyncadd.s32 $0xFFFFC000  }
0xf7: {  	_ =	swait.ge [sflag:s10], $0x4000  }
0xf8: {  	[sflag:s10] =	ssyncset.done $0x0  }
0xf9: {  	[sflag:s10] =	ssyncadd.s32 $0xFFFFC000  }
0xfa: {  	[hbm4b:s5+s2] =	stream.linear.scatter [tilespmem:s11], [sflag:$0x4], $0x4000, $0x38;
	[tilespmem:$0x10400] =	vst v63  }
0xfb: {  	_ = 	snop  }
0xfc: {  	[hbm4b:s6+s2] =	stream.linear.scatter [tilespmem:s13], [sflag:$0x6], $0x4000, $0x38;
	[tilespmem:$0x10400] =	vst v63  }
0xfd: {  	_ =	swait.ge [sflag:s9], $0x4000  }
0xfe: {  	[sflag:s9] =	ssyncset.done $0x0  }
0xff: {  	[sflag:s9] =	ssyncadd.s32 $0xFFFFC000  }
0x100: {  	_ =	swait.ge [sflag:s7], $0x4000  }
0x101: {  	[sflag:s7] =	ssyncset.done $0x0  }
0x102: {  	[sflag:s7] =	ssyncadd.s32 $0xFFFFC000  }
0x103: {  	_ =	swait.ge [sflag:s12], $0x4000  }
0x104: {  	[sflag:s12] =	ssyncset.done $0x0  }
0x105: {  	[sflag:s12] =	ssyncadd.s32 $0xFFFFC000  }
0x106: {  	_ =	swait.ge [sflag:s8], $0x4000  }
0x107: {  	[sflag:s8] =	ssyncset.done $0x0  }
0x108: {  	[sflag:s8] =	ssyncadd.s32 $0xFFFFC000  }
0x109: {  	_ =	sfence.sel $0x180000  }
0x10a: {  	[bflag:$0x0] =	sbarrier.arrive $0xFFFF  }
0x10b: {  	_ =	strace $0x90000047  }
0x10c: {  	s31 =	stileid.u32;
	[bflag:$0x2] =	sbarrier.arrive $0xFFFF  }
0x10d: {  	p0 =	sne.s32 s31, $0x0;
	s0 =	rddreg [dreg:$0x2]  }
0x10e: {  	s0 =	sadd.s32 @!p0 $0x100000, s0  }
0x10f: {  	[sflag:s0] =	ssyncadd.tile.s32 @!p0 $0x1;
	_ =	shalt  }
.Lfunc_end2:
_tile_overlayer_lowered:
.L_overlay_start_2:
0x110: {  	(tag) =	ssettag $0x2  }
0x111: {  	s0 =	rddreg [dreg:$0x0];
	s2 =	stileid.u32  }
0x112: {  	s1 =	rddreg [dreg:$0x1];
	p0 =	sne.s32 s2, $0x0  }
0x113: {  	s3 =	rddreg [dreg:$0x2];
	[bflag:$0x3] =	sbarrier.arrive $0xFFFF;
	s2 =	simm.s32 @!p0 $0x1C07  }
0x114: {  	[timem:s3], [sflag:s2] =	dma.local @!p0 [hbm:s0], s1  }
0x115: {  	s0 =	simm.s32 @!p0 $0x7  }
0x116: {  	_ =	swait.ge @!p0 [sflag:s0], s1  }
0x117: {  	s1 =	ssub.s32 @!p0 $0x0, s1;
	[sflag:s0] =	ssyncset.done @!p0 $0x0  }
0x118: {  	[sflag:s0] =	ssyncadd.s32 @!p0 s1  }
0x119: {  	[bflag:$0x3] =	sbarrier.arrive $0xFFFF  }
0x11a: {  	_ =	shalt  }

</sc_bundles>
